<compile_context>
chip_gen: v7x
topology: tpu7x:2x2x1
jax: 0.10.2.dev20260603
libtpu: 0.0.44.dev20260713+nightly
codegen_flags: <defaults>
</compile_context>

<pallas_src>
import functools

import jax
import jax.numpy as jnp
from jax import lax
from jax.experimental import pallas as pl
from jax.experimental.pallas import tpu as pltpu
from jax.experimental.pallas import tpu_sc as plsc

VOCAB = 8192
NC = 2
NS = 16
NW = NC * NS
B = 8192
BPW = B // NW
C = 2
NCH = BPW // C
NBUF = 4
GROUPS = NCH // NBUF


def _sc_gather(idx_r, table):
    mesh = plsc.VectorSubcoreMesh(core_axis_name="c", subcore_axis_name="s")

    @functools.partial(
        pl.kernel,
        mesh=mesh,
        out_type=jax.ShapeDtypeStruct((B, VOCAB), jnp.float32),
        scratch_types=[
            pltpu.VMEM((NCH, C), jnp.int32),
            pltpu.VMEM((NBUF, C, VOCAB), jnp.float32),
            pltpu.SemaphoreType.DMA((NBUF,)),
            pltpu.SemaphoreType.DMA((NBUF,)),
        ],
    )
    def k(idx_hbm, table_hbm, out_hbm, idx_v, bufs, gsem, osem):
        wid = lax.axis_index("s") * NC + lax.axis_index("c")
        base = wid * BPW
        pltpu.sync_copy(idx_hbm.at[wid], idx_v)

        def gather(ci, b):
            pltpu.async_copy(table_hbm.at[idx_v.at[ci]], bufs.at[b], gsem.at[b])

        def wait_gather(ci, b):
            pltpu.make_async_copy(
                table_hbm.at[idx_v.at[ci]], bufs.at[b], gsem.at[b]
            ).wait()

        def writeback(ci, b):
            pltpu.async_copy(
                bufs.at[b], out_hbm.at[pl.ds(base + ci * C, C)], osem.at[b]
            )

        def wait_writeback(b):
            pltpu.make_async_copy(
                bufs.at[b], out_hbm.at[pl.ds(base, C)], osem.at[b]
            ).wait()

        for b in range(NBUF - 1):
            gather(b, b)

        def body(j, carry):
            ci0 = j * NBUF
            for b in range(NBUF):
                ci = ci0 + b
                bn = (b + NBUF - 1) % NBUF
                wait_gather(ci, b)

                @pl.when(ci >= 1)
                def _():
                    wait_writeback(bn)

                @pl.when(ci + NBUF - 1 < NCH)
                def _():
                    gather(ci + NBUF - 1, bn)

                writeback(ci, b)
            return carry

        lax.fori_loop(0, GROUPS, body, 0, unroll=False)
        wait_writeback((NCH - 1) % NBUF)

    return k(idx_r, table)


def kernel(idx, table):
    idx_r = idx.reshape(NW, NCH, C).astype(jnp.int32)
    return _sc_gather(idx_r, table)

# --- scband reference (transcript-rebuilt; emitter-appended) ---
"""Pipeline reference for scband-bigram-baseline-49933289783645 (READ-ONLY COPY).

The authoritative reference and input builder live on the scoring server;
editing this copy changes nothing except your own understanding.
"""

import jax, jax.numpy as jnp
import numpy as np

VOCAB = 8192
BATCH = 1024
CHUNK = 8

def setup_inputs(seed: int = 0) -> dict:
    key = jax.random.key(seed)
    k_idx, k_tab = jax.random.split(key)
    idx = jax.random.randint(k_idx, (BATCH, CHUNK), 0, VOCAB, dtype=jnp.int64)
    table = jax.random.normal(k_tab, (VOCAB, VOCAB), dtype=jnp.float32)
    return {"idx": idx, "table": table}

def reference(idx, table):
    # nn.Embedding lookup: gather rows of the (vocab, vocab) table
    logits = jnp.take(table, idx, axis=0)  # [B, T, vocab]
    logits = logits.reshape(-1, VOCAB)     # [B*T, vocab]
    return logits

if __name__ == "__main__":
    import jax
    _d = setup_inputs()
    print(jax.jit(kernel)(*tuple(_d.values())))

</pallas_src>

<mosaic_0001>
#map = affine_map<(d0, d1) -> (0, 0, 0)>
#map1 = affine_map<(d0, d1) -> (0, 0)>
module attributes {stable_mosaic.version = 14 : i64} {
  func.func @k(%arg0: i32, %arg1: i32, %arg2: memref<32x128x2xi32, #tpu.memory_space<hbm>>, %arg3: memref<8192x8192xf32, #tpu.memory_space<hbm>>, %arg4: memref<8192x8192xf32, #tpu.memory_space<hbm>>, %arg5: memref<128x2xi32, #tpu.memory_space<vmem>>, %arg6: memref<4x2x8192xf32, #tpu.memory_space<vmem>>, %arg7: memref<4x!tpu.dma_semaphore, #tpu.memory_space<semaphore_mem>>, %arg8: memref<4x!tpu.dma_semaphore, #tpu.memory_space<semaphore_mem>>) attributes {dimension_semantics = [#tpu.dimension_semantics<core_parallel>, #tpu.dimension_semantics<subcore_parallel>], iteration_bounds = array<i64: 2, 16>, scalar_prefetch = 0 : i64, scratch_operands = 4 : i64, tpu.core_type = #tpu.core_type<sc_vector_subcore>, window_params = [{transform_indices = #map}, {transform_indices = #map1}, {transform_indices = #map1}]} {
    %mul3A = arith.constant 2 : i32
    %mul3A_0 = arith.muli %arg1, %mul3A : i32
    %add3A = arith.addi %mul3A_0, %arg0 : i32
    %mul3A_1 = arith.constant 256 : i32
    %mul3A_2 = arith.muli %add3A, %mul3A_1 : i32
    "tpu.region"() ({
      %run_scoped3A = tpu.sem_alloc : memref<!tpu.dma_semaphore, #tpu.memory_space<semaphore_mem>>
      %dma_start3A_67 = arith.constant 0 : i32
      %dma_start3A_68 = arith.constant 0 : i32
      %dma_start3A_69 = tpu.memref_slice %arg2[%add3A, %dma_start3A_67, %dma_start3A_68] : memref<32x128x2xi32, #tpu.memory_space<hbm>> -> memref<1x128x2xi32, #tpu.memory_space<hbm>>
      %dma_start3A_70 = tpu.memref_squeeze %dma_start3A_69 : memref<1x128x2xi32, #tpu.memory_space<hbm>> -> memref<128x2xi32, #tpu.memory_space<hbm>>
      %dma_start3A_71 = arith.constant 0 : i32
      %dma_start3A_72 = arith.constant 0 : i32
      %dma_start3A_73 = tpu.memref_slice %arg2[%add3A, %dma_start3A_71, %dma_start3A_72] : memref<32x128x2xi32, #tpu.memory_space<hbm>> -> memref<1x128x2xi32, #tpu.memory_space<hbm>>
      %dma_start3A_74 = tpu.memref_squeeze %dma_start3A_73 : memref<1x128x2xi32, #tpu.memory_space<hbm>> -> memref<128x2xi32, #tpu.memory_space<hbm>>
      tpu.enqueue_dma source(%dma_start3A_74 : memref<128x2xi32, #tpu.memory_space<hbm>>) target(%arg5 : memref<128x2xi32, #tpu.memory_space<vmem>>) target_semaphore(%run_scoped3A : memref<!tpu.dma_semaphore, #tpu.memory_space<semaphore_mem>>)
      %dma_wait3A_75 = arith.constant 0 : i32
      %dma_wait3A_76 = arith.constant 0 : i32
      %dma_wait3A_77 = tpu.memref_slice %arg2[%add3A, %dma_wait3A_75, %dma_wait3A_76] : memref<32x128x2xi32, #tpu.memory_space<hbm>> -> memref<1x128x2xi32, #tpu.memory_space<hbm>>
      %dma_wait3A_78 = tpu.memref_squeeze %dma_wait3A_77 : memref<1x128x2xi32, #tpu.memory_space<hbm>> -> memref<128x2xi32, #tpu.memory_space<hbm>>
      %dma_wait3A_79 = arith.constant 0 : i32
      %dma_wait3A_80 = arith.constant 0 : i32
      %dma_wait3A_81 = tpu.memref_slice %arg2[%add3A, %dma_wait3A_79, %dma_wait3A_80] : memref<32x128x2xi32, #tpu.memory_space<hbm>> -> memref<1x128x2xi32, #tpu.memory_space<hbm>>
      %dma_wait3A_82 = tpu.memref_squeeze %dma_wait3A_81 : memref<1x128x2xi32, #tpu.memory_space<hbm>> -> memref<128x2xi32, #tpu.memory_space<hbm>>
      tpu.wait_dma2 semaphore(%run_scoped3A : memref<!tpu.dma_semaphore, #tpu.memory_space<semaphore_mem>>) src(%dma_wait3A_82 : memref<128x2xi32, #tpu.memory_space<hbm>>) dst(%arg5 : memref<128x2xi32, #tpu.memory_space<vmem>>)
      tpu.yield
    }) : () -> ()
    %dma_start3A = arith.constant 0 : i32
    %dma_start3A_3 = arith.constant 0 : i32
    %dma_start3A_4 = arith.constant 0 : i32
    %dma_start3A_5 = arith.constant 0 : i32
    %dma_start3A_6 = arith.constant 0 : i32
    %dma_start3A_7 = tpu.memref_slice %arg6[%dma_start3A_3, %dma_start3A_5, %dma_start3A_6] : memref<4x2x8192xf32, #tpu.memory_space<vmem>> -> memref<1x2x8192xf32, #tpu.memory_space<vmem>>
    %dma_start3A_8 = tpu.memref_squeeze %dma_start3A_7 : memref<1x2x8192xf32, #tpu.memory_space<vmem>> -> memref<2x8192xf32, #tpu.memory_space<vmem>>
    %dma_start3A_9 = arith.constant 0 : i32
    %dma_start3A_10 = tpu.memref_slice %arg5[%dma_start3A, %dma_start3A_9] : memref<128x2xi32, #tpu.memory_space<vmem>> -> memref<1x2xi32, #tpu.memory_space<vmem>>
    %dma_start3A_11 = tpu.memref_squeeze %dma_start3A_10 : memref<1x2xi32, #tpu.memory_space<vmem>> -> memref<2xi32, #tpu.memory_space<vmem>>
    %dma_start3A_12 = arith.constant 0 : i32
    %dma_start3A_13 = arith.constant 0 : i32
    %dma_start3A_14 = tpu.memref_slice %arg3[%dma_start3A_12, %dma_start3A_13] : memref<8192x8192xf32, #tpu.memory_space<hbm>> -> memref<8192x8192xf32, #tpu.memory_space<hbm>>
    %dma_start3A_15 = tpu.memref_slice %arg7[%dma_start3A_4] : memref<4x!tpu.dma_semaphore, #tpu.memory_space<semaphore_mem>> -> memref<1x!tpu.dma_semaphore, #tpu.memory_space<semaphore_mem>>
    %dma_start3A_16 = tpu.memref_squeeze %dma_start3A_15 : memref<1x!tpu.dma_semaphore, #tpu.memory_space<semaphore_mem>> -> memref<!tpu.dma_semaphore, #tpu.memory_space<semaphore_mem>>
    tpu.enqueue_indirect_dma source(%dma_start3A_14 : memref<8192x8192xf32, #tpu.memory_space<hbm>>) target(%dma_start3A_8 : memref<2x8192xf32, #tpu.memory_space<vmem>>) offsets(%dma_start3A_11 : memref<2xi32, #tpu.memory_space<vmem>>) semaphore(%dma_start3A_16 : memref<!tpu.dma_semaphore, #tpu.memory_space<semaphore_mem>>)
    %dma_start3A_17 = arith.constant 1 : i32
    %dma_start3A_18 = arith.constant 1 : i32
    %dma_start3A_19 = arith.constant 1 : i32
    %dma_start3A_20 = arith.constant 0 : i32
    %dma_start3A_21 = arith.constant 0 : i32
    %dma_start3A_22 = tpu.memref_slice %arg6[%dma_start3A_18, %dma_start3A_20, %dma_start3A_21] : memref<4x2x8192xf32, #tpu.memory_space<vmem>> -> memref<1x2x8192xf32, #tpu.memory_space<vmem>>
    %dma_start3A_23 = tpu.memref_squeeze %dma_start3A_22 : memref<1x2x8192xf32, #tpu.memory_space<vmem>> -> memref<2x8192xf32, #tpu.memory_space<vmem>>
    %dma_start3A_24 = arith.constant 0 : i32
    %dma_start3A_25 = tpu.memref_slice %arg5[%dma_start3A_17, %dma_start3A_24] : memref<128x2xi32, #tpu.memory_space<vmem>> -> memref<1x2xi32, #tpu.memory_space<vmem>>
    %dma_start3A_26 = tpu.memref_squeeze %dma_start3A_25 : memref<1x2xi32, #tpu.memory_space<vmem>> -> memref<2xi32, #tpu.memory_space<vmem>>
    %dma_start3A_27 = arith.constant 0 : i32
    %dma_start3A_28 = arith.constant 0 : i32
    %dma_start3A_29 = tpu.memref_slice %arg3[%dma_start3A_27, %dma_start3A_28] : memref<8192x8192xf32, #tpu.memory_space<hbm>> -> memref<8192x8192xf32, #tpu.memory_space<hbm>>
    %dma_start3A_30 = tpu.memref_slice %arg7[%dma_start3A_19] : memref<4x!tpu.dma_semaphore, #tpu.memory_space<semaphore_mem>> -> memref<1x!tpu.dma_semaphore, #tpu.memory_space<semaphore_mem>>
    %dma_start3A_31 = tpu.memref_squeeze %dma_start3A_30 : memref<1x!tpu.dma_semaphore, #tpu.memory_space<semaphore_mem>> -> memref<!tpu.dma_semaphore, #tpu.memory_space<semaphore_mem>>
    tpu.enqueue_indirect_dma source(%dma_start3A_29 : memref<8192x8192xf32, #tpu.memory_space<hbm>>) target(%dma_start3A_23 : memref<2x8192xf32, #tpu.memory_space<vmem>>) offsets(%dma_start3A_26 : memref<2xi32, #tpu.memory_space<vmem>>) semaphore(%dma_start3A_31 : memref<!tpu.dma_semaphore, #tpu.memory_space<semaphore_mem>>)
    %dma_start3A_32 = arith.constant 2 : i32
    %dma_start3A_33 = arith.constant 2 : i32
    %dma_start3A_34 = arith.constant 2 : i32
    %dma_start3A_35 = arith.constant 0 : i32
    %dma_start3A_36 = arith.constant 0 : i32
    %dma_start3A_37 = tpu.memref_slice %arg6[%dma_start3A_33, %dma_start3A_35, %dma_start3A_36] : memref<4x2x8192xf32, #tpu.memory_space<vmem>> -> memref<1x2x8192xf32, #tpu.memory_space<vmem>>
    %dma_start3A_38 = tpu.memref_squeeze %dma_start3A_37 : memref<1x2x8192xf32, #tpu.memory_space<vmem>> -> memref<2x8192xf32, #tpu.memory_space<vmem>>
    %dma_start3A_39 = arith.constant 0 : i32
    %dma_start3A_40 = tpu.memref_slice %arg5[%dma_start3A_32, %dma_start3A_39] : memref<128x2xi32, #tpu.memory_space<vmem>> -> memref<1x2xi32, #tpu.memory_space<vmem>>
    %dma_start3A_41 = tpu.memref_squeeze %dma_start3A_40 : memref<1x2xi32, #tpu.memory_space<vmem>> -> memref<2xi32, #tpu.memory_space<vmem>>
    %dma_start3A_42 = arith.constant 0 : i32
    %dma_start3A_43 = arith.constant 0 : i32
    %dma_start3A_44 = tpu.memref_slice %arg3[%dma_start3A_42, %dma_start3A_43] : memref<8192x8192xf32, #tpu.memory_space<hbm>> -> memref<8192x8192xf32, #tpu.memory_space<hbm>>
    %dma_start3A_45 = tpu.memref_slice %arg7[%dma_start3A_34] : memref<4x!tpu.dma_semaphore, #tpu.memory_space<semaphore_mem>> -> memref<1x!tpu.dma_semaphore, #tpu.memory_space<semaphore_mem>>
    %dma_start3A_46 = tpu.memref_squeeze %dma_start3A_45 : memref<1x!tpu.dma_semaphore, #tpu.memory_space<semaphore_mem>> -> memref<!tpu.dma_semaphore, #tpu.memory_space<semaphore_mem>>
    tpu.enqueue_indirect_dma source(%dma_start3A_44 : memref<8192x8192xf32, #tpu.memory_space<hbm>>) target(%dma_start3A_38 : memref<2x8192xf32, #tpu.memory_space<vmem>>) offsets(%dma_start3A_41 : memref<2xi32, #tpu.memory_space<vmem>>) semaphore(%dma_start3A_46 : memref<!tpu.dma_semaphore, #tpu.memory_space<semaphore_mem>>)
    %scan3A = arith.constant 0 : i32
    %scan3A_47 = arith.constant 0 : i32
    %scan3A_48 = arith.constant 32 : i32
    %scan3A_49 = arith.addi %scan3A_47, %scan3A_48 : i32
    %scan3A_50 = arith.constant 1 : i32
    scf.for %scan3A_67 = %scan3A_47 to %scan3A_49 step %scan3A_50  : i32 {
      %mul3A_68 = arith.constant 4 : i32
      %mul3A_69 = arith.muli %scan3A_67, %mul3A_68 : i32
      %add3A_70 = arith.constant 0 : i32
      %add3A_71 = arith.addi %mul3A_69, %add3A_70 : i32
      %dma_wait3A_72 = arith.constant 0 : i32
      %dma_wait3A_73 = arith.constant 0 : i32
      %dma_wait3A_74 = arith.constant 0 : i32
      %dma_wait3A_75 = arith.constant 0 : i32
      %dma_wait3A_76 = tpu.memref_slice %arg6[%dma_wait3A_72, %dma_wait3A_74, %dma_wait3A_75] : memref<4x2x8192xf32, #tpu.memory_space<vmem>> -> memref<1x2x8192xf32, #tpu.memory_space<vmem>>
      %dma_wait3A_77 = tpu.memref_squeeze %dma_wait3A_76 : memref<1x2x8192xf32, #tpu.memory_space<vmem>> -> memref<2x8192xf32, #tpu.memory_space<vmem>>
      %dma_wait3A_78 = arith.constant 0 : i32
      %dma_wait3A_79 = tpu.memref_slice %arg5[%add3A_71, %dma_wait3A_78] : memref<128x2xi32, #tpu.memory_space<vmem>> -> memref<1x2xi32, #tpu.memory_space<vmem>>
      %dma_wait3A_80 = tpu.memref_squeeze %dma_wait3A_79 : memref<1x2xi32, #tpu.memory_space<vmem>> -> memref<2xi32, #tpu.memory_space<vmem>>
      %dma_wait3A_81 = arith.constant 0 : i32
      %dma_wait3A_82 = arith.constant 0 : i32
      %dma_wait3A_83 = tpu.memref_slice %arg3[%dma_wait3A_81, %dma_wait3A_82] : memref<8192x8192xf32, #tpu.memory_space<hbm>> -> memref<8192x8192xf32, #tpu.memory_space<hbm>>
      %dma_wait3A_84 = tpu.memref_slice %arg7[%dma_wait3A_73] : memref<4x!tpu.dma_semaphore, #tpu.memory_space<semaphore_mem>> -> memref<1x!tpu.dma_semaphore, #tpu.memory_space<semaphore_mem>>
      %dma_wait3A_85 = tpu.memref_squeeze %dma_wait3A_84 : memref<1x!tpu.dma_semaphore, #tpu.memory_space<semaphore_mem>> -> memref<!tpu.dma_semaphore, #tpu.memory_space<semaphore_mem>>
      tpu.wait_indirect_dma semaphore(%dma_wait3A_85 : memref<!tpu.dma_semaphore, #tpu.memory_space<semaphore_mem>>) src(%dma_wait3A_83 : memref<8192x8192xf32, #tpu.memory_space<hbm>>) dst(%dma_wait3A_77 : memref<2x8192xf32, #tpu.memory_space<vmem>>)
      %ge3A = arith.constant 1 : i32
      %ge3A_86 = arith.cmpi sge, %add3A_71, %ge3A : i32
      %convert_element_type3A = arith.extui %ge3A_86 : i1 to i32
      %cond3A = arith.constant 0 : i32
      %cond3A_87 = arith.cmpi ne, %convert_element_type3A, %cond3A : i32
      scf.if %cond3A_87 {
        %dma_wait3A_261 = arith.constant 3 : i32
        %dma_wait3A_262 = arith.constant 3 : i32
        %dma_wait3A_263 = arith.constant 0 : i32
        %dma_wait3A_264 = arith.constant 0 : i32
        %dma_wait3A_265 = tpu.memref_slice %arg6[%dma_wait3A_261, %dma_wait3A_263, %dma_wait3A_264] : memref<4x2x8192xf32, #tpu.memory_space<vmem>> -> memref<1x2x8192xf32, #tpu.memory_space<vmem>>
        %dma_wait3A_266 = tpu.memref_squeeze %dma_wait3A_265 : memref<1x2x8192xf32, #tpu.memory_space<vmem>> -> memref<2x8192xf32, #tpu.memory_space<vmem>>
        %dma_wait3A_267 = arith.constant 0 : i32
        %dma_wait3A_268 = tpu.memref_slice %arg4[%mul3A_2, %dma_wait3A_267] : memref<8192x8192xf32, #tpu.memory_space<hbm>> -> memref<2x8192xf32, #tpu.memory_space<hbm>>
        %dma_wait3A_269 = tpu.memref_slice %arg8[%dma_wait3A_262] : memref<4x!tpu.dma_semaphore, #tpu.memory_space<semaphore_mem>> -> memref<1x!tpu.dma_semaphore, #tpu.memory_space<semaphore_mem>>
        %dma_wait3A_270 = tpu.memref_squeeze %dma_wait3A_269 : memref<1x!tpu.dma_semaphore, #tpu.memory_space<semaphore_mem>> -> memref<!tpu.dma_semaphore, #tpu.memory_space<semaphore_mem>>
        %dma_wait3A_271 = arith.constant 0 : i32
        %dma_wait3A_272 = tpu.memref_slice %arg4[%mul3A_2, %dma_wait3A_271] : memref<8192x8192xf32, #tpu.memory_space<hbm>> -> memref<2x8192xf32, #tpu.memory_space<hbm>>
        %dma_wait3A_273 = arith.constant 0 : i32
        %dma_wait3A_274 = arith.constant 0 : i32
        %dma_wait3A_275 = tpu.memref_slice %arg6[%dma_wait3A_261, %dma_wait3A_273, %dma_wait3A_274] : memref<4x2x8192xf32, #tpu.memory_space<vmem>> -> memref<1x2x8192xf32, #tpu.memory_space<vmem>>
        %dma_wait3A_276 = tpu.memref_squeeze %dma_wait3A_275 : memref<1x2x8192xf32, #tpu.memory_space<vmem>> -> memref<2x8192xf32, #tpu.memory_space<vmem>>
        tpu.wait_dma2 semaphore(%dma_wait3A_270 : memref<!tpu.dma_semaphore, #tpu.memory_space<semaphore_mem>>) src(%dma_wait3A_276 : memref<2x8192xf32, #tpu.memory_space<vmem>>) dst(%dma_wait3A_272 : memref<2x8192xf32, #tpu.memory_space<hbm>>)
      } else {
      }
      %add3A_88 = arith.constant 4 : i32
      %add3A_89 = arith.addi %add3A_71, %add3A_88 : i32
      %sub3A = arith.constant 1 : i32
      %sub3A_90 = arith.subi %add3A_89, %sub3A : i32
      %lt3A = arith.constant 128 : i32
      %lt3A_91 = arith.cmpi slt, %sub3A_90, %lt3A : i32
      %convert_element_type3A_92 = arith.extui %lt3A_91 : i1 to i32
      %cond3A_93 = arith.constant 0 : i32
      %cond3A_94 = arith.cmpi ne, %convert_element_type3A_92, %cond3A_93 : i32
      scf.if %cond3A_94 {
        %add3A_261 = arith.constant 4 : i32
        %add3A_262 = arith.addi %add3A_71, %add3A_261 : i32
        %sub3A_263 = arith.constant 1 : i32
        %sub3A_264 = arith.subi %add3A_262, %sub3A_263 : i32
        %dma_start3A_265 = arith.constant 3 : i32
        %dma_start3A_266 = arith.constant 3 : i32
        %dma_start3A_267 = arith.constant 0 : i32
        %dma_start3A_268 = arith.constant 0 : i32
        %dma_start3A_269 = tpu.memref_slice %arg6[%dma_start3A_265, %dma_start3A_267, %dma_start3A_268] : memref<4x2x8192xf32, #tpu.memory_space<vmem>> -> memref<1x2x8192xf32, #tpu.memory_space<vmem>>
        %dma_start3A_270 = tpu.memref_squeeze %dma_start3A_269 : memref<1x2x8192xf32, #tpu.memory_space<vmem>> -> memref<2x8192xf32, #tpu.memory_space<vmem>>
        %dma_start3A_271 = arith.constant 0 : i32
        %dma_start3A_272 = tpu.memref_slice %arg5[%sub3A_264, %dma_start3A_271] : memref<128x2xi32, #tpu.memory_space<vmem>> -> memref<1x2xi32, #tpu.memory_space<vmem>>
        %dma_start3A_273 = tpu.memref_squeeze %dma_start3A_272 : memref<1x2xi32, #tpu.memory_space<vmem>> -> memref<2xi32, #tpu.memory_space<vmem>>
        %dma_start3A_274 = arith.constant 0 : i32
        %dma_start3A_275 = arith.constant 0 : i32
        %dma_start3A_276 = tpu.memref_slice %arg3[%dma_start3A_274, %dma_start3A_275] : memref<8192x8192xf32, #tpu.memory_space<hbm>> -> memref<8192x8192xf32, #tpu.memory_space<hbm>>
        %dma_start3A_277 = tpu.memref_slice %arg7[%dma_start3A_266] : memref<4x!tpu.dma_semaphore, #tpu.memory_space<semaphore_mem>> -> memref<1x!tpu.dma_semaphore, #tpu.memory_space<semaphore_mem>>
        %dma_start3A_278 = tpu.memref_squeeze %dma_start3A_277 : memref<1x!tpu.dma_semaphore, #tpu.memory_space<semaphore_mem>> -> memref<!tpu.dma_semaphore, #tpu.memory_space<semaphore_mem>>
        tpu.enqueue_indirect_dma source(%dma_start3A_276 : memref<8192x8192xf32, #tpu.memory_space<hbm>>) target(%dma_start3A_270 : memref<2x8192xf32, #tpu.memory_space<vmem>>) offsets(%dma_start3A_273 : memref<2xi32, #tpu.memory_space<vmem>>) semaphore(%dma_start3A_278 : memref<!tpu.dma_semaphore, #tpu.memory_space<semaphore_mem>>)
      } else {
      }
      %mul3A_95 = arith.constant 2 : i32
      %mul3A_96 = arith.muli %add3A_71, %mul3A_95 : i32
      %add3A_97 = arith.addi %mul3A_2, %mul3A_96 : i32
      %dma_start3A_98 = arith.constant 0 : i32
      %dma_start3A_99 = arith.constant 0 : i32
      %dma_start3A_100 = arith.constant 0 : i32
      %dma_start3A_101 = arith.constant 0 : i32
      %dma_start3A_102 = tpu.memref_slice %arg6[%dma_start3A_98, %dma_start3A_100, %dma_start3A_101] : memref<4x2x8192xf32, #tpu.memory_space<vmem>> -> memref<1x2x8192xf32, #tpu.memory_space<vmem>>
      %dma_start3A_103 = tpu.memref_squeeze %dma_start3A_102 : memref<1x2x8192xf32, #tpu.memory_space<vmem>> -> memref<2x8192xf32, #tpu.memory_space<vmem>>
      %dma_start3A_104 = arith.constant 0 : i32
      %dma_start3A_105 = tpu.memref_slice %arg4[%add3A_97, %dma_start3A_104] : memref<8192x8192xf32, #tpu.memory_space<hbm>> -> memref<2x8192xf32, #tpu.memory_space<hbm>>
      %dma_start3A_106 = tpu.memref_slice %arg8[%dma_start3A_99] : memref<4x!tpu.dma_semaphore, #tpu.memory_space<semaphore_mem>> -> memref<1x!tpu.dma_semaphore, #tpu.memory_space<semaphore_mem>>
      %dma_start3A_107 = tpu.memref_squeeze %dma_start3A_106 : memref<1x!tpu.dma_semaphore, #tpu.memory_space<semaphore_mem>> -> memref<!tpu.dma_semaphore, #tpu.memory_space<semaphore_mem>>
      %dma_start3A_108 = arith.constant 0 : i32
      %dma_start3A_109 = tpu.memref_slice %arg4[%add3A_97, %dma_start3A_108] : memref<8192x8192xf32, #tpu.memory_space<hbm>> -> memref<2x8192xf32, #tpu.memory_space<hbm>>
      %dma_start3A_110 = arith.constant 0 : i32
      %dma_start3A_111 = arith.constant 0 : i32
      %dma_start3A_112 = tpu.memref_slice %arg6[%dma_start3A_98, %dma_start3A_110, %dma_start3A_111] : memref<4x2x8192xf32, #tpu.memory_space<vmem>> -> memref<1x2x8192xf32, #tpu.memory_space<vmem>>
      %dma_start3A_113 = tpu.memref_squeeze %dma_start3A_112 : memref<1x2x8192xf32, #tpu.memory_space<vmem>> -> memref<2x8192xf32, #tpu.memory_space<vmem>>
      tpu.enqueue_dma source(%dma_start3A_113 : memref<2x8192xf32, #tpu.memory_space<vmem>>) target(%dma_start3A_109 : memref<2x8192xf32, #tpu.memory_space<hbm>>) target_semaphore(%dma_start3A_107 : memref<!tpu.dma_semaphore, #tpu.memory_space<semaphore_mem>>)
      %add3A_114 = arith.constant 1 : i32
      %add3A_115 = arith.addi %mul3A_69, %add3A_114 : i32
      %dma_wait3A_116 = arith.constant 1 : i32
      %dma_wait3A_117 = arith.constant 1 : i32
      %dma_wait3A_118 = arith.constant 0 : i32
      %dma_wait3A_119 = arith.constant 0 : i32
      %dma_wait3A_120 = tpu.memref_slice %arg6[%dma_wait3A_116, %dma_wait3A_118, %dma_wait3A_119] : memref<4x2x8192xf32, #tpu.memory_space<vmem>> -> memref<1x2x8192xf32, #tpu.memory_space<vmem>>
      %dma_wait3A_121 = tpu.memref_squeeze %dma_wait3A_120 : memref<1x2x8192xf32, #tpu.memory_space<vmem>> -> memref<2x8192xf32, #tpu.memory_space<vmem>>
      %dma_wait3A_122 = arith.constant 0 : i32
      %dma_wait3A_123 = tpu.memref_slice %arg5[%add3A_115, %dma_wait3A_122] : memref<128x2xi32, #tpu.memory_space<vmem>> -> memref<1x2xi32, #tpu.memory_space<vmem>>
      %dma_wait3A_124 = tpu.memref_squeeze %dma_wait3A_123 : memref<1x2xi32, #tpu.memory_space<vmem>> -> memref<2xi32, #tpu.memory_space<vmem>>
      %dma_wait3A_125 = arith.constant 0 : i32
      %dma_wait3A_126 = arith.constant 0 : i32
      %dma_wait3A_127 = tpu.memref_slice %arg3[%dma_wait3A_125, %dma_wait3A_126] : memref<8192x8192xf32, #tpu.memory_space<hbm>> -> memref<8192x8192xf32, #tpu.memory_space<hbm>>
      %dma_wait3A_128 = tpu.memref_slice %arg7[%dma_wait3A_117] : memref<4x!tpu.dma_semaphore, #tpu.memory_space<semaphore_mem>> -> memref<1x!tpu.dma_semaphore, #tpu.memory_space<semaphore_mem>>
      %dma_wait3A_129 = tpu.memref_squeeze %dma_wait3A_128 : memref<1x!tpu.dma_semaphore, #tpu.memory_space<semaphore_mem>> -> memref<!tpu.dma_semaphore, #tpu.memory_space<semaphore_mem>>
      tpu.wait_indirect_dma semaphore(%dma_wait3A_129 : memref<!tpu.dma_semaphore, #tpu.memory_space<semaphore_mem>>) src(%dma_wait3A_127 : memref<8192x8192xf32, #tpu.memory_space<hbm>>) dst(%dma_wait3A_121 : memref<2x8192xf32, #tpu.memory_space<vmem>>)
      %ge3A_130 = arith.constant 1 : i32
      %ge3A_131 = arith.cmpi sge, %add3A_115, %ge3A_130 : i32
      %convert_element_type3A_132 = arith.extui %ge3A_131 : i1 to i32
      %cond3A_133 = arith.constant 0 : i32
      %cond3A_134 = arith.cmpi ne, %convert_element_type3A_132, %cond3A_133 : i32
      scf.if %cond3A_134 {
        %dma_wait3A_261 = arith.constant 0 : i32
        %dma_wait3A_262 = arith.constant 0 : i32
        %dma_wait3A_263 = arith.constant 0 : i32
        %dma_wait3A_264 = arith.constant 0 : i32
        %dma_wait3A_265 = tpu.memref_slice %arg6[%dma_wait3A_261, %dma_wait3A_263, %dma_wait3A_264] : memref<4x2x8192xf32, #tpu.memory_space<vmem>> -> memref<1x2x8192xf32, #tpu.memory_space<vmem>>
        %dma_wait3A_266 = tpu.memref_squeeze %dma_wait3A_265 : memref<1x2x8192xf32, #tpu.memory_space<vmem>> -> memref<2x8192xf32, #tpu.memory_space<vmem>>
        %dma_wait3A_267 = arith.constant 0 : i32
        %dma_wait3A_268 = tpu.memref_slice %arg4[%mul3A_2, %dma_wait3A_267] : memref<8192x8192xf32, #tpu.memory_space<hbm>> -> memref<2x8192xf32, #tpu.memory_space<hbm>>
        %dma_wait3A_269 = tpu.memref_slice %arg8[%dma_wait3A_262] : memref<4x!tpu.dma_semaphore, #tpu.memory_space<semaphore_mem>> -> memref<1x!tpu.dma_semaphore, #tpu.memory_space<semaphore_mem>>
        %dma_wait3A_270 = tpu.memref_squeeze %dma_wait3A_269 : memref<1x!tpu.dma_semaphore, #tpu.memory_space<semaphore_mem>> -> memref<!tpu.dma_semaphore, #tpu.memory_space<semaphore_mem>>
        %dma_wait3A_271 = arith.constant 0 : i32
        %dma_wait3A_272 = tpu.memref_slice %arg4[%mul3A_2, %dma_wait3A_271] : memref<8192x8192xf32, #tpu.memory_space<hbm>> -> memref<2x8192xf32, #tpu.memory_space<hbm>>
        %dma_wait3A_273 = arith.constant 0 : i32
        %dma_wait3A_274 = arith.constant 0 : i32
        %dma_wait3A_275 = tpu.memref_slice %arg6[%dma_wait3A_261, %dma_wait3A_273, %dma_wait3A_274] : memref<4x2x8192xf32, #tpu.memory_space<vmem>> -> memref<1x2x8192xf32, #tpu.memory_space<vmem>>
        %dma_wait3A_276 = tpu.memref_squeeze %dma_wait3A_275 : memref<1x2x8192xf32, #tpu.memory_space<vmem>> -> memref<2x8192xf32, #tpu.memory_space<vmem>>
        tpu.wait_dma2 semaphore(%dma_wait3A_270 : memref<!tpu.dma_semaphore, #tpu.memory_space<semaphore_mem>>) src(%dma_wait3A_276 : memref<2x8192xf32, #tpu.memory_space<vmem>>) dst(%dma_wait3A_272 : memref<2x8192xf32, #tpu.memory_space<hbm>>)
      } else {
      }
      %add3A_135 = arith.constant 4 : i32
      %add3A_136 = arith.addi %add3A_115, %add3A_135 : i32
      %sub3A_137 = arith.constant 1 : i32
      %sub3A_138 = arith.subi %add3A_136, %sub3A_137 : i32
      %lt3A_139 = arith.constant 128 : i32
      %lt3A_140 = arith.cmpi slt, %sub3A_138, %lt3A_139 : i32
      %convert_element_type3A_141 = arith.extui %lt3A_140 : i1 to i32
      %cond3A_142 = arith.constant 0 : i32
      %cond3A_143 = arith.cmpi ne, %convert_element_type3A_141, %cond3A_142 : i32
      scf.if %cond3A_143 {
        %add3A_261 = arith.constant 4 : i32
        %add3A_262 = arith.addi %add3A_115, %add3A_261 : i32
        %sub3A_263 = arith.constant 1 : i32
        %sub3A_264 = arith.subi %add3A_262, %sub3A_263 : i32
        %dma_start3A_265 = arith.constant 0 : i32
        %dma_start3A_266 = arith.constant 0 : i32
        %dma_start3A_267 = arith.constant 0 : i32
        %dma_start3A_268 = arith.constant 0 : i32
        %dma_start3A_269 = tpu.memref_slice %arg6[%dma_start3A_265, %dma_start3A_267, %dma_start3A_268] : memref<4x2x8192xf32, #tpu.memory_space<vmem>> -> memref<1x2x8192xf32, #tpu.memory_space<vmem>>
        %dma_start3A_270 = tpu.memref_squeeze %dma_start3A_269 : memref<1x2x8192xf32, #tpu.memory_space<vmem>> -> memref<2x8192xf32, #tpu.memory_space<vmem>>
        %dma_start3A_271 = arith.constant 0 : i32
        %dma_start3A_272 = tpu.memref_slice %arg5[%sub3A_264, %dma_start3A_271] : memref<128x2xi32, #tpu.memory_space<vmem>> -> memref<1x2xi32, #tpu.memory_space<vmem>>
        %dma_start3A_273 = tpu.memref_squeeze %dma_start3A_272 : memref<1x2xi32, #tpu.memory_space<vmem>> -> memref<2xi32, #tpu.memory_space<vmem>>
        %dma_start3A_274 = arith.constant 0 : i32
        %dma_start3A_275 = arith.constant 0 : i32
        %dma_start3A_276 = tpu.memref_slice %arg3[%dma_start3A_274, %dma_start3A_275] : memref<8192x8192xf32, #tpu.memory_space<hbm>> -> memref<8192x8192xf32, #tpu.memory_space<hbm>>
        %dma_start3A_277 = tpu.memref_slice %arg7[%dma_start3A_266] : memref<4x!tpu.dma_semaphore, #tpu.memory_space<semaphore_mem>> -> memref<1x!tpu.dma_semaphore, #tpu.memory_space<semaphore_mem>>
        %dma_start3A_278 = tpu.memref_squeeze %dma_start3A_277 : memref<1x!tpu.dma_semaphore, #tpu.memory_space<semaphore_mem>> -> memref<!tpu.dma_semaphore, #tpu.memory_space<semaphore_mem>>
        tpu.enqueue_indirect_dma source(%dma_start3A_276 : memref<8192x8192xf32, #tpu.memory_space<hbm>>) target(%dma_start3A_270 : memref<2x8192xf32, #tpu.memory_space<vmem>>) offsets(%dma_start3A_273 : memref<2xi32, #tpu.memory_space<vmem>>) semaphore(%dma_start3A_278 : memref<!tpu.dma_semaphore, #tpu.memory_space<semaphore_mem>>)
      } else {
      }
      %mul3A_144 = arith.constant 2 : i32
      %mul3A_145 = arith.muli %add3A_115, %mul3A_144 : i32
      %add3A_146 = arith.addi %mul3A_2, %mul3A_145 : i32
      %dma_start3A_147 = arith.constant 1 : i32
      %dma_start3A_148 = arith.constant 1 : i32
      %dma_start3A_149 = arith.constant 0 : i32
      %dma_start3A_150 = arith.constant 0 : i32
      %dma_start3A_151 = tpu.memref_slice %arg6[%dma_start3A_147, %dma_start3A_149, %dma_start3A_150] : memref<4x2x8192xf32, #tpu.memory_space<vmem>> -> memref<1x2x8192xf32, #tpu.memory_space<vmem>>
      %dma_start3A_152 = tpu.memref_squeeze %dma_start3A_151 : memref<1x2x8192xf32, #tpu.memory_space<vmem>> -> memref<2x8192xf32, #tpu.memory_space<vmem>>
      %dma_start3A_153 = arith.constant 0 : i32
      %dma_start3A_154 = tpu.memref_slice %arg4[%add3A_146, %dma_start3A_153] : memref<8192x8192xf32, #tpu.memory_space<hbm>> -> memref<2x8192xf32, #tpu.memory_space<hbm>>
      %dma_start3A_155 = tpu.memref_slice %arg8[%dma_start3A_148] : memref<4x!tpu.dma_semaphore, #tpu.memory_space<semaphore_mem>> -> memref<1x!tpu.dma_semaphore, #tpu.memory_space<semaphore_mem>>
      %dma_start3A_156 = tpu.memref_squeeze %dma_start3A_155 : memref<1x!tpu.dma_semaphore, #tpu.memory_space<semaphore_mem>> -> memref<!tpu.dma_semaphore, #tpu.memory_space<semaphore_mem>>
      %dma_start3A_157 = arith.constant 0 : i32
      %dma_start3A_158 = tpu.memref_slice %arg4[%add3A_146, %dma_start3A_157] : memref<8192x8192xf32, #tpu.memory_space<hbm>> -> memref<2x8192xf32, #tpu.memory_space<hbm>>
      %dma_start3A_159 = arith.constant 0 : i32
      %dma_start3A_160 = arith.constant 0 : i32
      %dma_start3A_161 = tpu.memref_slice %arg6[%dma_start3A_147, %dma_start3A_159, %dma_start3A_160] : memref<4x2x8192xf32, #tpu.memory_space<vmem>> -> memref<1x2x8192xf32, #tpu.memory_space<vmem>>
      %dma_start3A_162 = tpu.memref_squeeze %dma_start3A_161 : memref<1x2x8192xf32, #tpu.memory_space<vmem>> -> memref<2x8192xf32, #tpu.memory_space<vmem>>
      tpu.enqueue_dma source(%dma_start3A_162 : memref<2x8192xf32, #tpu.memory_space<vmem>>) target(%dma_start3A_158 : memref<2x8192xf32, #tpu.memory_space<hbm>>) target_semaphore(%dma_start3A_156 : memref<!tpu.dma_semaphore, #tpu.memory_space<semaphore_mem>>)
      %add3A_163 = arith.constant 2 : i32
      %add3A_164 = arith.addi %mul3A_69, %add3A_163 : i32
      %dma_wait3A_165 = arith.constant 2 : i32
      %dma_wait3A_166 = arith.constant 2 : i32
      %dma_wait3A_167 = arith.constant 0 : i32
      %dma_wait3A_168 = arith.constant 0 : i32
      %dma_wait3A_169 = tpu.memref_slice %arg6[%dma_wait3A_165, %dma_wait3A_167, %dma_wait3A_168] : memref<4x2x8192xf32, #tpu.memory_space<vmem>> -> memref<1x2x8192xf32, #tpu.memory_space<vmem>>
      %dma_wait3A_170 = tpu.memref_squeeze %dma_wait3A_169 : memref<1x2x8192xf32, #tpu.memory_space<vmem>> -> memref<2x8192xf32, #tpu.memory_space<vmem>>
      %dma_wait3A_171 = arith.constant 0 : i32
      %dma_wait3A_172 = tpu.memref_slice %arg5[%add3A_164, %dma_wait3A_171] : memref<128x2xi32, #tpu.memory_space<vmem>> -> memref<1x2xi32, #tpu.memory_space<vmem>>
      %dma_wait3A_173 = tpu.memref_squeeze %dma_wait3A_172 : memref<1x2xi32, #tpu.memory_space<vmem>> -> memref<2xi32, #tpu.memory_space<vmem>>
      %dma_wait3A_174 = arith.constant 0 : i32
      %dma_wait3A_175 = arith.constant 0 : i32
      %dma_wait3A_176 = tpu.memref_slice %arg3[%dma_wait3A_174, %dma_wait3A_175] : memref<8192x8192xf32, #tpu.memory_space<hbm>> -> memref<8192x8192xf32, #tpu.memory_space<hbm>>
      %dma_wait3A_177 = tpu.memref_slice %arg7[%dma_wait3A_166] : memref<4x!tpu.dma_semaphore, #tpu.memory_space<semaphore_mem>> -> memref<1x!tpu.dma_semaphore, #tpu.memory_space<semaphore_mem>>
      %dma_wait3A_178 = tpu.memref_squeeze %dma_wait3A_177 : memref<1x!tpu.dma_semaphore, #tpu.memory_space<semaphore_mem>> -> memref<!tpu.dma_semaphore, #tpu.memory_space<semaphore_mem>>
      tpu.wait_indirect_dma semaphore(%dma_wait3A_178 : memref<!tpu.dma_semaphore, #tpu.memory_space<semaphore_mem>>) src(%dma_wait3A_176 : memref<8192x8192xf32, #tpu.memory_space<hbm>>) dst(%dma_wait3A_170 : memref<2x8192xf32, #tpu.memory_space<vmem>>)
      %ge3A_179 = arith.constant 1 : i32
      %ge3A_180 = arith.cmpi sge, %add3A_164, %ge3A_179 : i32
      %convert_element_type3A_181 = arith.extui %ge3A_180 : i1 to i32
      %cond3A_182 = arith.constant 0 : i32
      %cond3A_183 = arith.cmpi ne, %convert_element_type3A_181, %cond3A_182 : i32
      scf.if %cond3A_183 {
        %dma_wait3A_261 = arith.constant 1 : i32
        %dma_wait3A_262 = arith.constant 1 : i32
        %dma_wait3A_263 = arith.constant 0 : i32
        %dma_wait3A_264 = arith.constant 0 : i32
        %dma_wait3A_265 = tpu.memref_slice %arg6[%dma_wait3A_261, %dma_wait3A_263, %dma_wait3A_264] : memref<4x2x8192xf32, #tpu.memory_space<vmem>> -> memref<1x2x8192xf32, #tpu.memory_space<vmem>>
        %dma_wait3A_266 = tpu.memref_squeeze %dma_wait3A_265 : memref<1x2x8192xf32, #tpu.memory_space<vmem>> -> memref<2x8192xf32, #tpu.memory_space<vmem>>
        %dma_wait3A_267 = arith.constant 0 : i32
        %dma_wait3A_268 = tpu.memref_slice %arg4[%mul3A_2, %dma_wait3A_267] : memref<8192x8192xf32, #tpu.memory_space<hbm>> -> memref<2x8192xf32, #tpu.memory_space<hbm>>
        %dma_wait3A_269 = tpu.memref_slice %arg8[%dma_wait3A_262] : memref<4x!tpu.dma_semaphore, #tpu.memory_space<semaphore_mem>> -> memref<1x!tpu.dma_semaphore, #tpu.memory_space<semaphore_mem>>
        %dma_wait3A_270 = tpu.memref_squeeze %dma_wait3A_269 : memref<1x!tpu.dma_semaphore, #tpu.memory_space<semaphore_mem>> -> memref<!tpu.dma_semaphore, #tpu.memory_space<semaphore_mem>>
        %dma_wait3A_271 = arith.constant 0 : i32
        %dma_wait3A_272 = tpu.memref_slice %arg4[%mul3A_2, %dma_wait3A_271] : memref<8192x8192xf32, #tpu.memory_space<hbm>> -> memref<2x8192xf32, #tpu.memory_space<hbm>>
        %dma_wait3A_273 = arith.constant 0 : i32
        %dma_wait3A_274 = arith.constant 0 : i32
        %dma_wait3A_275 = tpu.memref_slice %arg6[%dma_wait3A_261, %dma_wait3A_273, %dma_wait3A_274] : memref<4x2x8192xf32, #tpu.memory_space<vmem>> -> memref<1x2x8192xf32, #tpu.memory_space<vmem>>
        %dma_wait3A_276 = tpu.memref_squeeze %dma_wait3A_275 : memref<1x2x8192xf32, #tpu.memory_space<vmem>> -> memref<2x8192xf32, #tpu.memory_space<vmem>>
        tpu.wait_dma2 semaphore(%dma_wait3A_270 : memref<!tpu.dma_semaphore, #tpu.memory_space<semaphore_mem>>) src(%dma_wait3A_276 : memref<2x8192xf32, #tpu.memory_space<vmem>>) dst(%dma_wait3A_272 : memref<2x8192xf32, #tpu.memory_space<hbm>>)
      } else {
      }
      %add3A_184 = arith.constant 4 : i32
      %add3A_185 = arith.addi %add3A_164, %add3A_184 : i32
      %sub3A_186 = arith.constant 1 : i32
      %sub3A_187 = arith.subi %add3A_185, %sub3A_186 : i32
      %lt3A_188 = arith.constant 128 : i32
      %lt3A_189 = arith.cmpi slt, %sub3A_187, %lt3A_188 : i32
      %convert_element_type3A_190 = arith.extui %lt3A_189 : i1 to i32
      %cond3A_191 = arith.constant 0 : i32
      %cond3A_192 = arith.cmpi ne, %convert_element_type3A_190, %cond3A_191 : i32
      scf.if %cond3A_192 {
        %add3A_261 = arith.constant 4 : i32
        %add3A_262 = arith.addi %add3A_164, %add3A_261 : i32
        %sub3A_263 = arith.constant 1 : i32
        %sub3A_264 = arith.subi %add3A_262, %sub3A_263 : i32
        %dma_start3A_265 = arith.constant 1 : i32
        %dma_start3A_266 = arith.constant 1 : i32
        %dma_start3A_267 = arith.constant 0 : i32
        %dma_start3A_268 = arith.constant 0 : i32
        %dma_start3A_269 = tpu.memref_slice %arg6[%dma_start3A_265, %dma_start3A_267, %dma_start3A_268] : memref<4x2x8192xf32, #tpu.memory_space<vmem>> -> memref<1x2x8192xf32, #tpu.memory_space<vmem>>
        %dma_start3A_270 = tpu.memref_squeeze %dma_start3A_269 : memref<1x2x8192xf32, #tpu.memory_space<vmem>> -> memref<2x8192xf32, #tpu.memory_space<vmem>>
        %dma_start3A_271 = arith.constant 0 : i32
        %dma_start3A_272 = tpu.memref_slice %arg5[%sub3A_264, %dma_start3A_271] : memref<128x2xi32, #tpu.memory_space<vmem>> -> memref<1x2xi32, #tpu.memory_space<vmem>>
        %dma_start3A_273 = tpu.memref_squeeze %dma_start3A_272 : memref<1x2xi32, #tpu.memory_space<vmem>> -> memref<2xi32, #tpu.memory_space<vmem>>
        %dma_start3A_274 = arith.constant 0 : i32
        %dma_start3A_275 = arith.constant 0 : i32
        %dma_start3A_276 = tpu.memref_slice %arg3[%dma_start3A_274, %dma_start3A_275] : memref<8192x8192xf32, #tpu.memory_space<hbm>> -> memref<8192x8192xf32, #tpu.memory_space<hbm>>
        %dma_start3A_277 = tpu.memref_slice %arg7[%dma_start3A_266] : memref<4x!tpu.dma_semaphore, #tpu.memory_space<semaphore_mem>> -> memref<1x!tpu.dma_semaphore, #tpu.memory_space<semaphore_mem>>
        %dma_start3A_278 = tpu.memref_squeeze %dma_start3A_277 : memref<1x!tpu.dma_semaphore, #tpu.memory_space<semaphore_mem>> -> memref<!tpu.dma_semaphore, #tpu.memory_space<semaphore_mem>>
        tpu.enqueue_indirect_dma source(%dma_start3A_276 : memref<8192x8192xf32, #tpu.memory_space<hbm>>) target(%dma_start3A_270 : memref<2x8192xf32, #tpu.memory_space<vmem>>) offsets(%dma_start3A_273 : memref<2xi32, #tpu.memory_space<vmem>>) semaphore(%dma_start3A_278 : memref<!tpu.dma_semaphore, #tpu.memory_space<semaphore_mem>>)
      } else {
      }
      %mul3A_193 = arith.constant 2 : i32
      %mul3A_194 = arith.muli %add3A_164, %mul3A_193 : i32
      %add3A_195 = arith.addi %mul3A_2, %mul3A_194 : i32
      %dma_start3A_196 = arith.constant 2 : i32
      %dma_start3A_197 = arith.constant 2 : i32
      %dma_start3A_198 = arith.constant 0 : i32
      %dma_start3A_199 = arith.constant 0 : i32
      %dma_start3A_200 = tpu.memref_slice %arg6[%dma_start3A_196, %dma_start3A_198, %dma_start3A_199] : memref<4x2x8192xf32, #tpu.memory_space<vmem>> -> memref<1x2x8192xf32, #tpu.memory_space<vmem>>
      %dma_start3A_201 = tpu.memref_squeeze %dma_start3A_200 : memref<1x2x8192xf32, #tpu.memory_space<vmem>> -> memref<2x8192xf32, #tpu.memory_space<vmem>>
      %dma_start3A_202 = arith.constant 0 : i32
      %dma_start3A_203 = tpu.memref_slice %arg4[%add3A_195, %dma_start3A_202] : memref<8192x8192xf32, #tpu.memory_space<hbm>> -> memref<2x8192xf32, #tpu.memory_space<hbm>>
      %dma_start3A_204 = tpu.memref_slice %arg8[%dma_start3A_197] : memref<4x!tpu.dma_semaphore, #tpu.memory_space<semaphore_mem>> -> memref<1x!tpu.dma_semaphore, #tpu.memory_space<semaphore_mem>>
      %dma_start3A_205 = tpu.memref_squeeze %dma_start3A_204 : memref<1x!tpu.dma_semaphore, #tpu.memory_space<semaphore_mem>> -> memref<!tpu.dma_semaphore, #tpu.memory_space<semaphore_mem>>
      %dma_start3A_206 = arith.constant 0 : i32
      %dma_start3A_207 = tpu.memref_slice %arg4[%add3A_195, %dma_start3A_206] : memref<8192x8192xf32, #tpu.memory_space<hbm>> -> memref<2x8192xf32, #tpu.memory_space<hbm>>
      %dma_start3A_208 = arith.constant 0 : i32
      %dma_start3A_209 = arith.constant 0 : i32
      %dma_start3A_210 = tpu.memref_slice %arg6[%dma_start3A_196, %dma_start3A_208, %dma_start3A_209] : memref<4x2x8192xf32, #tpu.memory_space<vmem>> -> memref<1x2x8192xf32, #tpu.memory_space<vmem>>
      %dma_start3A_211 = tpu.memref_squeeze %dma_start3A_210 : memref<1x2x8192xf32, #tpu.memory_space<vmem>> -> memref<2x8192xf32, #tpu.memory_space<vmem>>
      tpu.enqueue_dma source(%dma_start3A_211 : memref<2x8192xf32, #tpu.memory_space<vmem>>) target(%dma_start3A_207 : memref<2x8192xf32, #tpu.memory_space<hbm>>) target_semaphore(%dma_start3A_205 : memref<!tpu.dma_semaphore, #tpu.memory_space<semaphore_mem>>)
      %add3A_212 = arith.constant 3 : i32
      %add3A_213 = arith.addi %mul3A_69, %add3A_212 : i32
      %dma_wait3A_214 = arith.constant 3 : i32
      %dma_wait3A_215 = arith.constant 3 : i32
      %dma_wait3A_216 = arith.constant 0 : i32
      %dma_wait3A_217 = arith.constant 0 : i32
      %dma_wait3A_218 = tpu.memref_slice %arg6[%dma_wait3A_214, %dma_wait3A_216, %dma_wait3A_217] : memref<4x2x8192xf32, #tpu.memory_space<vmem>> -> memref<1x2x8192xf32, #tpu.memory_space<vmem>>
      %dma_wait3A_219 = tpu.memref_squeeze %dma_wait3A_218 : memref<1x2x8192xf32, #tpu.memory_space<vmem>> -> memref<2x8192xf32, #tpu.memory_space<vmem>>
      %dma_wait3A_220 = arith.constant 0 : i32
      %dma_wait3A_221 = tpu.memref_slice %arg5[%add3A_213, %dma_wait3A_220] : memref<128x2xi32, #tpu.memory_space<vmem>> -> memref<1x2xi32, #tpu.memory_space<vmem>>
      %dma_wait3A_222 = tpu.memref_squeeze %dma_wait3A_221 : memref<1x2xi32, #tpu.memory_space<vmem>> -> memref<2xi32, #tpu.memory_space<vmem>>
      %dma_wait3A_223 = arith.constant 0 : i32
      %dma_wait3A_224 = arith.constant 0 : i32
      %dma_wait3A_225 = tpu.memref_slice %arg3[%dma_wait3A_223, %dma_wait3A_224] : memref<8192x8192xf32, #tpu.memory_space<hbm>> -> memref<8192x8192xf32, #tpu.memory_space<hbm>>
      %dma_wait3A_226 = tpu.memref_slice %arg7[%dma_wait3A_215] : memref<4x!tpu.dma_semaphore, #tpu.memory_space<semaphore_mem>> -> memref<1x!tpu.dma_semaphore, #tpu.memory_space<semaphore_mem>>
      %dma_wait3A_227 = tpu.memref_squeeze %dma_wait3A_226 : memref<1x!tpu.dma_semaphore, #tpu.memory_space<semaphore_mem>> -> memref<!tpu.dma_semaphore, #tpu.memory_space<semaphore_mem>>
      tpu.wait_indirect_dma semaphore(%dma_wait3A_227 : memref<!tpu.dma_semaphore, #tpu.memory_space<semaphore_mem>>) src(%dma_wait3A_225 : memref<8192x8192xf32, #tpu.memory_space<hbm>>) dst(%dma_wait3A_219 : memref<2x8192xf32, #tpu.memory_space<vmem>>)
      %ge3A_228 = arith.constant 1 : i32
      %ge3A_229 = arith.cmpi sge, %add3A_213, %ge3A_228 : i32
      %convert_element_type3A_230 = arith.extui %ge3A_229 : i1 to i32
      %cond3A_231 = arith.constant 0 : i32
      %cond3A_232 = arith.cmpi ne, %convert_element_type3A_230, %cond3A_231 : i32
      scf.if %cond3A_232 {
        %dma_wait3A_261 = arith.constant 2 : i32
        %dma_wait3A_262 = arith.constant 2 : i32
        %dma_wait3A_263 = arith.constant 0 : i32
        %dma_wait3A_264 = arith.constant 0 : i32
        %dma_wait3A_265 = tpu.memref_slice %arg6[%dma_wait3A_261, %dma_wait3A_263, %dma_wait3A_264] : memref<4x2x8192xf32, #tpu.memory_space<vmem>> -> memref<1x2x8192xf32, #tpu.memory_space<vmem>>
        %dma_wait3A_266 = tpu.memref_squeeze %dma_wait3A_265 : memref<1x2x8192xf32, #tpu.memory_space<vmem>> -> memref<2x8192xf32, #tpu.memory_space<vmem>>
        %dma_wait3A_267 = arith.constant 0 : i32
        %dma_wait3A_268 = tpu.memref_slice %arg4[%mul3A_2, %dma_wait3A_267] : memref<8192x8192xf32, #tpu.memory_space<hbm>> -> memref<2x8192xf32, #tpu.memory_space<hbm>>
        %dma_wait3A_269 = tpu.memref_slice %arg8[%dma_wait3A_262] : memref<4x!tpu.dma_semaphore, #tpu.memory_space<semaphore_mem>> -> memref<1x!tpu.dma_semaphore, #tpu.memory_space<semaphore_mem>>
        %dma_wait3A_270 = tpu.memref_squeeze %dma_wait3A_269 : memref<1x!tpu.dma_semaphore, #tpu.memory_space<semaphore_mem>> -> memref<!tpu.dma_semaphore, #tpu.memory_space<semaphore_mem>>
        %dma_wait3A_271 = arith.constant 0 : i32
        %dma_wait3A_272 = tpu.memref_slice %arg4[%mul3A_2, %dma_wait3A_271] : memref<8192x8192xf32, #tpu.memory_space<hbm>> -> memref<2x8192xf32, #tpu.memory_space<hbm>>
        %dma_wait3A_273 = arith.constant 0 : i32
        %dma_wait3A_274 = arith.constant 0 : i32
        %dma_wait3A_275 = tpu.memref_slice %arg6[%dma_wait3A_261, %dma_wait3A_273, %dma_wait3A_274] : memref<4x2x8192xf32, #tpu.memory_space<vmem>> -> memref<1x2x8192xf32, #tpu.memory_space<vmem>>
        %dma_wait3A_276 = tpu.memref_squeeze %dma_wait3A_275 : memref<1x2x8192xf32, #tpu.memory_space<vmem>> -> memref<2x8192xf32, #tpu.memory_space<vmem>>
        tpu.wait_dma2 semaphore(%dma_wait3A_270 : memref<!tpu.dma_semaphore, #tpu.memory_space<semaphore_mem>>) src(%dma_wait3A_276 : memref<2x8192xf32, #tpu.memory_space<vmem>>) dst(%dma_wait3A_272 : memref<2x8192xf32, #tpu.memory_space<hbm>>)
      } else {
      }
      %add3A_233 = arith.constant 4 : i32
      %add3A_234 = arith.addi %add3A_213, %add3A_233 : i32
      %sub3A_235 = arith.constant 1 : i32
      %sub3A_236 = arith.subi %add3A_234, %sub3A_235 : i32
      %lt3A_237 = arith.constant 128 : i32
      %lt3A_238 = arith.cmpi slt, %sub3A_236, %lt3A_237 : i32
      %convert_element_type3A_239 = arith.extui %lt3A_238 : i1 to i32
      %cond3A_240 = arith.constant 0 : i32
      %cond3A_241 = arith.cmpi ne, %convert_element_type3A_239, %cond3A_240 : i32
      scf.if %cond3A_241 {
        %add3A_261 = arith.constant 4 : i32
        %add3A_262 = arith.addi %add3A_213, %add3A_261 : i32
        %sub3A_263 = arith.constant 1 : i32
        %sub3A_264 = arith.subi %add3A_262, %sub3A_263 : i32
        %dma_start3A_265 = arith.constant 2 : i32
        %dma_start3A_266 = arith.constant 2 : i32
        %dma_start3A_267 = arith.constant 0 : i32
        %dma_start3A_268 = arith.constant 0 : i32
        %dma_start3A_269 = tpu.memref_slice %arg6[%dma_start3A_265, %dma_start3A_267, %dma_start3A_268] : memref<4x2x8192xf32, #tpu.memory_space<vmem>> -> memref<1x2x8192xf32, #tpu.memory_space<vmem>>
        %dma_start3A_270 = tpu.memref_squeeze %dma_start3A_269 : memref<1x2x8192xf32, #tpu.memory_space<vmem>> -> memref<2x8192xf32, #tpu.memory_space<vmem>>
        %dma_start3A_271 = arith.constant 0 : i32
        %dma_start3A_272 = tpu.memref_slice %arg5[%sub3A_264, %dma_start3A_271] : memref<128x2xi32, #tpu.memory_space<vmem>> -> memref<1x2xi32, #tpu.memory_space<vmem>>
        %dma_start3A_273 = tpu.memref_squeeze %dma_start3A_272 : memref<1x2xi32, #tpu.memory_space<vmem>> -> memref<2xi32, #tpu.memory_space<vmem>>
        %dma_start3A_274 = arith.constant 0 : i32
        %dma_start3A_275 = arith.constant 0 : i32
        %dma_start3A_276 = tpu.memref_slice %arg3[%dma_start3A_274, %dma_start3A_275] : memref<8192x8192xf32, #tpu.memory_space<hbm>> -> memref<8192x8192xf32, #tpu.memory_space<hbm>>
        %dma_start3A_277 = tpu.memref_slice %arg7[%dma_start3A_266] : memref<4x!tpu.dma_semaphore, #tpu.memory_space<semaphore_mem>> -> memref<1x!tpu.dma_semaphore, #tpu.memory_space<semaphore_mem>>
        %dma_start3A_278 = tpu.memref_squeeze %dma_start3A_277 : memref<1x!tpu.dma_semaphore, #tpu.memory_space<semaphore_mem>> -> memref<!tpu.dma_semaphore, #tpu.memory_space<semaphore_mem>>
        tpu.enqueue_indirect_dma source(%dma_start3A_276 : memref<8192x8192xf32, #tpu.memory_space<hbm>>) target(%dma_start3A_270 : memref<2x8192xf32, #tpu.memory_space<vmem>>) offsets(%dma_start3A_273 : memref<2xi32, #tpu.memory_space<vmem>>) semaphore(%dma_start3A_278 : memref<!tpu.dma_semaphore, #tpu.memory_space<semaphore_mem>>)
      } else {
      }
      %mul3A_242 = arith.constant 2 : i32
      %mul3A_243 = arith.muli %add3A_213, %mul3A_242 : i32
      %add3A_244 = arith.addi %mul3A_2, %mul3A_243 : i32
      %dma_start3A_245 = arith.constant 3 : i32
      %dma_start3A_246 = arith.constant 3 : i32
      %dma_start3A_247 = arith.constant 0 : i32
      %dma_start3A_248 = arith.constant 0 : i32
      %dma_start3A_249 = tpu.memref_slice %arg6[%dma_start3A_245, %dma_start3A_247, %dma_start3A_248] : memref<4x2x8192xf32, #tpu.memory_space<vmem>> -> memref<1x2x8192xf32, #tpu.memory_space<vmem>>
      %dma_start3A_250 = tpu.memref_squeeze %dma_start3A_249 : memref<1x2x8192xf32, #tpu.memory_space<vmem>> -> memref<2x8192xf32, #tpu.memory_space<vmem>>
      %dma_start3A_251 = arith.constant 0 : i32
      %dma_start3A_252 = tpu.memref_slice %arg4[%add3A_244, %dma_start3A_251] : memref<8192x8192xf32, #tpu.memory_space<hbm>> -> memref<2x8192xf32, #tpu.memory_space<hbm>>
      %dma_start3A_253 = tpu.memref_slice %arg8[%dma_start3A_246] : memref<4x!tpu.dma_semaphore, #tpu.memory_space<semaphore_mem>> -> memref<1x!tpu.dma_semaphore, #tpu.memory_space<semaphore_mem>>
      %dma_start3A_254 = tpu.memref_squeeze %dma_start3A_253 : memref<1x!tpu.dma_semaphore, #tpu.memory_space<semaphore_mem>> -> memref<!tpu.dma_semaphore, #tpu.memory_space<semaphore_mem>>
      %dma_start3A_255 = arith.constant 0 : i32
      %dma_start3A_256 = tpu.memref_slice %arg4[%add3A_244, %dma_start3A_255] : memref<8192x8192xf32, #tpu.memory_space<hbm>> -> memref<2x8192xf32, #tpu.memory_space<hbm>>
      %dma_start3A_257 = arith.constant 0 : i32
      %dma_start3A_258 = arith.constant 0 : i32
      %dma_start3A_259 = tpu.memref_slice %arg6[%dma_start3A_245, %dma_start3A_257, %dma_start3A_258] : memref<4x2x8192xf32, #tpu.memory_space<vmem>> -> memref<1x2x8192xf32, #tpu.memory_space<vmem>>
      %dma_start3A_260 = tpu.memref_squeeze %dma_start3A_259 : memref<1x2x8192xf32, #tpu.memory_space<vmem>> -> memref<2x8192xf32, #tpu.memory_space<vmem>>
      tpu.enqueue_dma source(%dma_start3A_260 : memref<2x8192xf32, #tpu.memory_space<vmem>>) target(%dma_start3A_256 : memref<2x8192xf32, #tpu.memory_space<hbm>>) target_semaphore(%dma_start3A_254 : memref<!tpu.dma_semaphore, #tpu.memory_space<semaphore_mem>>)
    }
    %scan3A_51 = arith.constant 32 : i32
    %dma_wait3A = arith.constant 3 : i32
    %dma_wait3A_52 = arith.constant 3 : i32
    %dma_wait3A_53 = arith.constant 0 : i32
    %dma_wait3A_54 = arith.constant 0 : i32
    %dma_wait3A_55 = tpu.memref_slice %arg6[%dma_wait3A, %dma_wait3A_53, %dma_wait3A_54] : memref<4x2x8192xf32, #tpu.memory_space<vmem>> -> memref<1x2x8192xf32, #tpu.memory_space<vmem>>
    %dma_wait3A_56 = tpu.memref_squeeze %dma_wait3A_55 : memref<1x2x8192xf32, #tpu.memory_space<vmem>> -> memref<2x8192xf32, #tpu.memory_space<vmem>>
    %dma_wait3A_57 = arith.constant 0 : i32
    %dma_wait3A_58 = tpu.memref_slice %arg4[%mul3A_2, %dma_wait3A_57] : memref<8192x8192xf32, #tpu.memory_space<hbm>> -> memref<2x8192xf32, #tpu.memory_space<hbm>>
    %dma_wait3A_59 = tpu.memref_slice %arg8[%dma_wait3A_52] : memref<4x!tpu.dma_semaphore, #tpu.memory_space<semaphore_mem>> -> memref<1x!tpu.dma_semaphore, #tpu.memory_space<semaphore_mem>>
    %dma_wait3A_60 = tpu.memref_squeeze %dma_wait3A_59 : memref<1x!tpu.dma_semaphore, #tpu.memory_space<semaphore_mem>> -> memref<!tpu.dma_semaphore, #tpu.memory_space<semaphore_mem>>
    %dma_wait3A_61 = arith.constant 0 : i32
    %dma_wait3A_62 = tpu.memref_slice %arg4[%mul3A_2, %dma_wait3A_61] : memref<8192x8192xf32, #tpu.memory_space<hbm>> -> memref<2x8192xf32, #tpu.memory_space<hbm>>
    %dma_wait3A_63 = arith.constant 0 : i32
    %dma_wait3A_64 = arith.constant 0 : i32
    %dma_wait3A_65 = tpu.memref_slice %arg6[%dma_wait3A, %dma_wait3A_63, %dma_wait3A_64] : memref<4x2x8192xf32, #tpu.memory_space<vmem>> -> memref<1x2x8192xf32, #tpu.memory_space<vmem>>
    %dma_wait3A_66 = tpu.memref_squeeze %dma_wait3A_65 : memref<1x2x8192xf32, #tpu.memory_space<vmem>> -> memref<2x8192xf32, #tpu.memory_space<vmem>>
    tpu.wait_dma2 semaphore(%dma_wait3A_60 : memref<!tpu.dma_semaphore, #tpu.memory_space<semaphore_mem>>) src(%dma_wait3A_66 : memref<2x8192xf32, #tpu.memory_space<vmem>>) dst(%dma_wait3A_62 : memref<2x8192xf32, #tpu.memory_space<hbm>>)
    return
  }
}

</mosaic_0001>

<sc_bundles>
// kernel: kernel.3.cloned.1.call-start
scs
__scs_entry_jumppad:
0x0: {  	(pc) =	sbr.rel $0x88, $3  }
0x1: {  	(tag) =	ssettag $0x0;
	lr =	simm.s32 $0x1  }
0x2: {  	[smem:$0x3F9F] =	sst lr;
	_ =	strace $0xD0000000  }
0x3: {  	_ = 	snop  }
0x4: {  	_ = 	snop  }
0x5: {  	_ = 	snop  }
0x6: {  	_ = 	snop  }
0x7: {  	_ = 	snop  }
__scs_overlays_trampoline_lowered:
0x8: {  	[smem:$0x3FAE] =	sst s0  }
0x9: {  	[smem:$0x3FAF] =	sst s1  }
0xa: {  	[smem:$0x3FB0] =	sst s2  }
0xb: {  	[smem:$0x3FB1] =	sst s3  }
0xc: {  	[smem:$0x3FB2] =	sst s4  }
0xd: {  	[smem:$0x3FB3] =	sst s5  }
0xe: {  	[smem:$0x3FB4] =	sst s6  }
0xf: {  	[smem:$0x3FB5] =	sst s7  }
0x10: {  	[smem:$0x3FB6] =	sst s8  }
0x11: {  	[smem:$0x3FB7] =	sst s9;
	s0 =	simm.s32 @!p0 $0x0  }
0x12: {  	s1 =	sld [smem:$0x3F9D];
	s0 =	simm.s32 @p0 $0x1  }
0x13: {  	[smem:$0x3FB8] =	sst s0;
	s0 =	simm.s32 @!p1 $0x0  }
0x14: {  	s2 =	sld [smem:$0x3F9C];
	s0 =	simm.s32 @p1 $0x1  }
0x15: {  	[smem:$0x3FB9] =	sst s0;
	s0 =	simm.s32 @!p2 $0x0  }
0x16: {  	s3 =	sld [smem:$0x3FDB];
	s0 =	simm.s32 @p2 $0x1  }
0x17: {  	s4 =	simm.s32 $0x1BF5;
	[smem:$0x3FBB] =	sst s0  }
0x18: {  	s0 =	sld [smem:$0x3F9E];
	_ =	swait.ge [sflag:s4], $0x0  }
0x19: {  	s7 =	sld [smem:$0x3F9F]  }
0x1a: {  	s8 =	sadd.s32 $0xFFFFE003, lr  }
0x1b: {  	s9 =	sadd.s32 $0xFFFFFEF7, lr;
	s5 =	simm.s32 $0xFFFFFFFF;
	p2 =	slt.u32 s8, $0xFFFFF086  }
0x1c: {  	p1 =	slt.u32 s9, $0xF7A;
	s5 =	simm.s32 @!p2 $0x0  }
0x1d: {  	s5 =	simm.s32 @p1 $0x1;
	p0 =	seq.s32 s7, s2  }
0x1e: {  	s7 =	smul.u32 @!p0 $0xF7A, s2;
	p2 =	seq.s32 @!p0 s5, $0x0  }
0x1f: {  	s9 =	smul.u32 $0xF7A, s1;
	s8 =	simm.s32 @!p0 $0x1BF5;
	p2 =	por !p2, p0  }
0x20: {  	[sflag:s8] =	ssyncset.s32 @!p0 $0xFFFFF086;
	s6 =	sadd.s32 @!p0 s3, s7;
	s7 =	simm.s32 @!p0 $0x108  }
0x21: {  	s3 =	sadd.s32 s3, s9;
	s6 =	sadd.s32 @!p0 $0x88, s6;
	s7 =	simm.s32 @p2 $0x1082  }
0x22: {  	[simem:s7], [sflag:s8] =	dma.local @!p0 [hbm:s6], $0xF7A  }
0x23: {  	s9 =	sor.u32 $0xD0000000, s2;
	s6 =	simm.s32 $0x108;
	_ =	swait.ge @!p0 [sflag:s8], $0x0  }
0x24: {  	s3 =	sadd.s32 $0x88, s3;
	s6 =	simm.s32 @!p1 $0x1082;
	[sflag:s4] =	ssyncset.s32 $0xFFFFF086  }
0x25: {  	[simem:s6], [sflag:s4] =	dma.local [hbm:s3], $0xF7A  }
0x26: {  	[smem:$0x3F9F] =	sst s1;
	(tag) =	ssettag s2;
	_ =	strace s9  }
0x27: {  	s1 =	sld [smem:$0x3FAF]  }
0x28: {  	s2 =	sld [smem:$0x3FB0]  }
0x29: {  	s4 =	sld [smem:$0x3FB2]  }
0x2a: {  	p0 =	seq.s32 s5, $0x0;
	s5 =	sld [smem:$0x3FB3]  }
0x2b: {  	s6 =	sld [smem:$0x3FB4]  }
0x2c: {  	s7 =	sld [smem:$0x3FB5]  }
0x2d: {  	s3 =	simm.s32 $0x108;
	s8 =	sld [smem:$0x3FB6]  }
0x2e: {  	s3 =	simm.s32 @!p0 $0x1082;
	s9 =	sld [smem:$0x3FB7]  }
0x2f: {  	lr =	sadd.s32 s0, s3;
	s0 =	sld [smem:$0x3FAE]  }
0x30: {  	s3 =	sld [smem:$0x3FB1]  }
0x31: {  	[smem:$0x3FBA] =	sst s10  }
0x32: {  	s10 =	sld [smem:$0x3FB8];
	_ =	sdelay $0x3  }
0x33: {  	p0 =	seq.s32 s10, $0x1;
	s10 =	sld [smem:$0x3FBA];
	_ =	sdelay $0x3  }
0x34: {  	[smem:$0x3FBA] =	sst s10  }
0x35: {  	s10 =	sld [smem:$0x3FB9];
	_ =	sdelay $0x3  }
0x36: {  	p1 =	seq.s32 s10, $0x1;
	s10 =	sld [smem:$0x3FBA];
	_ =	sdelay $0x3  }
0x37: {  	[smem:$0x3FBA] =	sst s10  }
0x38: {  	s10 =	sld [smem:$0x3FBB]  }
0x39: {  	_ = 	snop;
	(pc) =	sbr.ind lr, $3  }
0x3a: {  	_ = 	snop  }
0x3b: {  	_ = 	snop  }
0x3c: {  	p2 =	seq.s32 s10, $0x1;
	s10 =	sld [smem:$0x3FBA]  }
0x3d: {  	_ =	shalt  }
0x3e: {  	_ =	shalt  }
0x3f: {  	_ =	shalt  }
0x40: {  	_ =	shalt  }
0x41: {  	_ =	shalt  }
0x42: {  	_ =	shalt  }
0x43: {  	_ =	shalt  }
0x44: {  	_ =	shalt  }
0x45: {  	_ =	shalt  }
0x46: {  	_ =	shalt  }
0x47: {  	_ =	shalt  }
0x48: {  	_ =	shalt  }
0x49: {  	_ =	shalt  }
0x4a: {  	_ =	shalt  }
0x4b: {  	_ =	shalt  }
0x4c: {  	_ =	shalt  }
0x4d: {  	_ =	shalt  }
0x4e: {  	_ =	shalt  }
0x4f: {  	_ =	shalt  }
0x50: {  	_ =	shalt  }
0x51: {  	_ =	shalt  }
0x52: {  	_ =	shalt  }
0x53: {  	_ =	shalt  }
0x54: {  	_ =	shalt  }
0x55: {  	_ =	shalt  }
0x56: {  	_ =	shalt  }
0x57: {  	_ =	shalt  }
0x58: {  	_ =	shalt  }
0x59: {  	_ =	shalt  }
0x5a: {  	_ =	shalt  }
0x5b: {  	_ =	shalt  }
0x5c: {  	_ =	shalt  }
0x5d: {  	_ =	shalt  }
0x5e: {  	_ =	shalt  }
0x5f: {  	_ =	shalt  }
0x60: {  	_ =	shalt  }
0x61: {  	_ =	shalt  }
0x62: {  	_ =	shalt  }
0x63: {  	_ =	shalt  }
0x64: {  	_ =	shalt  }
0x65: {  	_ =	shalt  }
0x66: {  	_ =	shalt  }
0x67: {  	_ =	shalt  }
0x68: {  	_ =	shalt  }
0x69: {  	_ =	shalt  }
0x6a: {  	_ =	shalt  }
0x6b: {  	_ =	shalt  }
0x6c: {  	_ =	shalt  }
0x6d: {  	_ =	shalt  }
0x6e: {  	_ =	shalt  }
0x6f: {  	_ =	shalt  }
0x70: {  	_ =	shalt  }
0x71: {  	_ =	shalt  }
0x72: {  	_ =	shalt  }
0x73: {  	_ =	shalt  }
0x74: {  	_ =	shalt  }
0x75: {  	_ =	shalt  }
0x76: {  	_ =	shalt  }
0x77: {  	_ =	shalt  }
0x78: {  	_ =	shalt  }
0x79: {  	_ =	shalt  }
0x7a: {  	_ =	shalt  }
0x7b: {  	_ =	shalt  }
0x7c: {  	_ =	shalt  }
0x7d: {  	_ =	shalt  }
0x7e: {  	_ =	shalt  }
0x7f: {  	_ =	shalt  }
0x80: {  	_ =	shalt  }
0x81: {  	_ =	shalt  }
0x82: {  	_ =	shalt  }
0x83: {  	_ =	shalt  }
0x84: {  	_ =	shalt  }
0x85: {  	_ =	shalt  }
0x86: {  	_ =	shalt  }
0x87: {  	_ =	shalt  }
.Lfunc_end0:
.L_simem_size_0:
called_computation_lowered:
.L_overlay_start_0:
0x88: {  	s2 =	sld [smem:$0x3FD9]  }
0x89: {  	s3 =	sld [smem:$0x3FFE];
	_ =	sdelay $0x1  }
0x8a: {  	s1 =	srdreg.scid  }
0x8b: {  	s0 =	sand.u32 $0x1, s1  }
0x8c: {  	s17 =	sshll.u32 s0, $0xA;
	s2 =	sadd.s32 s3, s2  }
0x8d: {  	s2 =	sadd.s32 s2, s17  }
0x8e: {  	[smem:$0x3FC6] =	sst s2  }
0x8f: {  	_ = 	snop  }
0x90: {  	s2 =	sld [smem:$0x3FC8]  }
0x91: {  	s18 =	sld [smem:$0x3FD0];
	(tm) =	ssettm $0x1  }
0x92: {  	s4 =	sld [smem:$0x3FFB];
	_ =	sdelay $0x3  }
0x93: {  	_ =	strace s4  }
0x94: {  	s4 =	sld [smem:$0x3FFC];
	_ =	sdelay $0x3  }
0x95: {  	_ =	strace s4  }
0x96: {  	s4 =	sld [smem:$0x3FFD];
	_ =	sdelay $0x3  }
0x97: {  	_ =	strace s4  }
0x98: {  	_ =	strace $0x8FFFFFFF  }
0x99: {  	s19 =	sld [smem:$0x3FDB];
	_ =	sdelay $0x1  }
0x9a: {  	s5 =	simm.s32 $_scs_section_size  }
0x9b: {  	s6 =	simm.s32 $_size__tile_overlayer_lowered;
	s7 =	simm.s32 $_tile_overlayer_lowered  }
0x9c: {  	s22 =	simm.s32 $0x1BFF;
	s21 =	sshll.u32 s7, $0x1;
	s4 =	sadd.s32 s5, s19  }
0x9d: {  	s8 =	simm.s32 $0x0;
	s20 =	sshll.u32 s6, $0x1;
	s6 =	sadd.s32 s21, s4  }
0x9e: {  	[timem:s8], [sflag:s22] =	dma.local [hbm:s6], s20  }
0x9f: {  	_ =	swait.ge [sflag:s22], s20  }
0xa0: {  	s5 =	ssub.s32 $0x0, s20;
	[sflag:s22] =	ssyncset.done $0x0  }
0xa1: {  	[sflag:s22] =	ssyncadd.s32 s5;
	_ =	sdelay $0x1  }
0xa2: {  	s23 =	simm.s32 $0x1B8B  }
0xa3: {  	_ =	swait.ge [sflag:s23], $0x1  }
0xa4: {  	[sflag:s23] =	ssyncset.done $0x0  }
0xa5: {  	s25 =	simm.s32 $0x1B8E;
	s24 =	sld [smem:$0x3FFE];
	[sflag:s23] =	ssyncadd.s32 $0xFFFFFFFF  }
0xa6: {  	s26 =	simm.s32 $execute0_lowered;
	[smem:$0x3FD2] =	sst s25  }
0xa7: {  	s6 =	sshll.u32 s26, $0x1;
	_ =	strace $0x80000046;
	[dreg:$0x1] =	wrdreg $0xFFFFFFFF  }
0xa8: {  	s28 =	simm.s32 $_size_execute0_lowered;
	s4 =	sadd.s32 s4, s6;
	[dreg:$0x0] =	wrdreg $0x0  }
0xa9: {  	s6 =	sshll.u32 s28, $0x1;
	[dreg:$0x2] =	wrdreg s4  }
0xaa: {  	[dreg:$0x3] =	wrdreg s6  }
0xab: {  	[dreg:$0x4] =	wrdreg $0xC0  }
0xac: {  	_ =	task [dreg:s8], $0x5FFFF  }
0xad: {  	[dreg:$0x1] =	wrdreg $0xFFFFFFFF  }
0xae: {  	[dreg:$0x0] =	wrdreg $0x60  }
0xaf: {  	[dreg:$0x2] =	wrdreg s24  }
0xb0: {  	[dreg:$0x3] =	wrdreg s2  }
0xb1: {  	[dreg:$0x4] =	wrdreg s18  }
0xb2: {  	[dreg:$0x5] =	wrdreg $0x9  }
0xb3: {  	_ =	task.clear_ibuf [dreg:s8], $0x6FFFF;
	_ =	strace $0x90000046  }
0xb4: {  	s29 =	simm.s32 $0x9;
	_ =	strace $0x80000048  }
0xb5: {  	_ =	swait.ge [sflag:s29], $0x1  }
0xb6: {  	[sflag:s29] =	ssyncadd.s32 $0xFFFFFFFF  }
0xb7: {  	_ =	strace $0x90000048  }
0xb8: {  	_ =	sfence  }
0xb9: {  	s30 =	sld [smem:$0x0];
	_ =	sdelay $0x2  }
0xba: {  	s31 =	sshll.u32 s1, $0xD;
	s1 =	sshrl.u32 s1, $0x2  }
0xbb: {  	s3 =	sand.u32 $0x4000, s31;
	s1 =	sadd.s32 s1, s30  }
0xbc: {  	s0 =	sor.u32 s3, s0;
	s1 =	sshll.u32 s1, $0x11  }
0xbd: {  	s0 =	sor.u32 s1, s0  }
0xbe: {  	s0 =	sadd.s32 $0x8F2B, s0  }
0xbf: {  	[sflag:s0] =	ssyncadd.remote.s32 $0x1  }
0xc0: {  	_ =	sfence.sel $0xFFFF  }
0xc1: {  	[dreg:$0x0] =	wrdreg $0xFFFFFFFF;
	(pc) =	sbr.abs _section_cstart, $3  }
0xc2: {  	[dreg:$0x1] =	wrdreg $0xFFFFFFFF  }
0xc3: {  	_ =	task.clear_ibuf [dreg:s8], $0x2FFFF;
	_ =	strace $0x9FFFFFFF  }
0xc4: {  	(tm) =	ssettm $0x7FFFFFFF  }
0xc5: {  	_ =	shalt  }
tec
execute0_lowered:
.L_overlay_start_1:
0x0: {  	(tag) =	ssettag $0x1  }
0x1: {  	s0 =	rddreg [dreg:$0x0]  }
0x2: {  	s2 =	rddreg [dreg:$0x1]  }
0x3: {  	s1 =	rddreg [dreg:$0x2];
	s3 =	srdreg.scid  }
0x4: {  	s8 =	stileid.u32;
	s13 =	simm.s32 $0x9;
	s14 =	simm.s32 $0x4000  }
0x5: {  	s20 =	simm.s32 $0x10800;
	s21 =	simm.s32 $0x11000;
	s22 =	simm.s32 $0x11800  }
0x6: {  	s23 =	simm.s32 $0x12000;
	s24 =	simm.s32 $0x12800;
	s25 =	simm.s32 $0x13000  }
0x7: {  	s26 =	simm.s32 $0x13800;
	s31 =	simm.s32 $0xC000;
	s28 =	simm.s32 $0x3  }
0x8: {  	s29 =	simm.s32 $0x6;
	s30 =	simm.s32 $0x4;
	s15 =	simm.s32 $0x0  }
0x9: {  	s9 =	sand.u32 $0x1, s3;
	s3 =	simm.s32 $0x0;
	s4 =	sshll.u32 s8, $0xC  }
0xa: {  	s6 =	sadd.s32 $0x800, s2;
	s7 =	sadd.s32 $0xC00, s2;
	[smem:$0x7FF] =	sst s3  }
0xb: {  	s18 =	sshll.u32 s8, $0x13;
	_ =	strace $0x80000047;
	[dreg:$0x5] =	wrdreg s20  }
0xc: {  	s8 =	sadd.s32 $0x1000, s2;
	s10 =	sadd.s32 $0x1800, s2;
	[dreg:$0x6] =	wrdreg s21  }
0xd: {  	s11 =	sadd.s32 $0x1C00, s2;
	s5 =	sshll.u32 s9, $0xB;
	[dreg:$0x7] =	wrdreg s22  }
0xe: {  	s16 =	ssub.s32 $0x2, s9;
	s19 =	sshll.u32 s9, $0x12;
	[dreg:$0x8] =	wrdreg s23  }
0xf: {  	s9 =	sadd.s32 $0x1400, s2;
	s4 =	sor.u32 s5, s4;
	[dreg:$0x9] =	wrdreg s24  }
0x10: {  	s17 =	sshrl.u32 s16, $0x1;
	s5 =	sadd.s32 $0x400, s2;
	[dreg:$0xa] =	wrdreg s25  }
0x11: {  	s22 =	simm.s32 $0x8000;
	[dreg:$0xb] =	wrdreg s26;
	s20 =	simm.s32 $0x1  }
0x12: {  	s21 =	simm.s32 $0x10000;
	s23 =	simm.s32 $0x100;
	s0 =	sadd.s32 s4, s0  }
0x13: {  	s24 =	simm.s32 $0x400;
	s25 =	simm.s32 $0x2;
	s0 =	sadd.s32 $0x400, s0  }
0x14: {  	v0 =	vlaneseq.u32;
	s12 =	ssub.s32 s16, s17;
	[dreg:$0xc] =	wrdreg s0;
	s0 =	sadd.s32 s18, s1  }
0x15: {  	v1 =	vshrl.u32 v0, $0x1;
	s26 =	simm.s32 $0x5;
	s12 =	smax.u32 s12, $0x1;
	s0 =	sadd.s32 s19, s0  }
0x16: {  	vm0 =	vmmov $0xffff;
	v0 =	vand.u32 $0x1, v0;
	v1 =	vmul.u32 $0x8, v1;
	s1 =	simm.s32 $0x8;
	[dreg:$0x4] =	wrdreg s0;
	s0 =	simm.s32 $0x7  }
.LBB2_1:
0x17: {  	s4 =	rddreg [dreg:$0xc]  }
0x18: {  	[tilespmem:s3], [sflag:$0x9] =	stream.linear.gather [hbm4b:s4+s3], $0x4000, $0x38;
	[tilespmem:$0x14000] =	vst v63  }
0x19: {  	_ =	swait.ge [sflag:s13], $0x4000  }
0x1a: {  	[sflag:s13] =	ssyncset.done $0x0  }
0x1b: {  	[sflag:s13] =	ssyncadd.s32 $0xFFFFC000  }
0x1c: {  	v2 =	vld.msk [tilespmem:$0x0], $0x3;
	_ =	sdelay $0x4  }
0x1d: {  	v3 =	vshll.u32 v2, $0x6  }
0x1e: {  	v2 =	vand.u32 $0x7, v2;
	v3 =	vand.u32 $0xFFFFFE00, v3  }
0x1f: {  	v2 =	vor.u32 v2, v3  }
0x20: {  	v2 =	vperm.xlane v2, v0;
	_ =	sdelay $0x1  }
0x21: {  	v2 =	vadd.s32 v1, v2;
	_ =	sdelay $0x4  }
0x22: {  	[tilespmem:s14], [sflag:$0x1] =	stream.indirect_vreg.gather [hbm4b:s2+s3], $0x80, v2, vm0, $0xb8;
	[tilespmem:$0x14000] =	vst v63  }
0x23: {  	s19 =	simm.s32 $0x4800  }
0x24: {  	[tilespmem:s19], [sflag:$0x1] =	stream.indirect_vreg.gather [hbm4b:s5+s3], $0x80, v2, vm0, $0xb8;
	[tilespmem:$0x14000] =	vst v63  }
0x25: {  	s16 =	simm.s32 $0x5000  }
0x26: {  	[tilespmem:s16], [sflag:$0x1] =	stream.indirect_vreg.gather [hbm4b:s6+s3], $0x80, v2, vm0, $0xb8;
	[tilespmem:$0x14000] =	vst v63  }
0x27: {  	s17 =	simm.s32 $0x5800  }
0x28: {  	[tilespmem:s17], [sflag:$0x1] =	stream.indirect_vreg.gather [hbm4b:s7+s3], $0x80, v2, vm0, $0xb8;
	[tilespmem:$0x14000] =	vst v63  }
0x29: {  	s18 =	simm.s32 $0x6000  }
0x2a: {  	[tilespmem:s18], [sflag:$0x1] =	stream.indirect_vreg.gather [hbm4b:s8+s3], $0x80, v2, vm0, $0xb8;
	[tilespmem:$0x14000] =	vst v63  }
0x2b: {  	s19 =	simm.s32 $0x6800  }
0x2c: {  	[tilespmem:s19], [sflag:$0x1] =	stream.indirect_vreg.gather [hbm4b:s9+s3], $0x80, v2, vm0, $0xb8;
	[tilespmem:$0x14000] =	vst v63  }
0x2d: {  	s16 =	simm.s32 $0x7000  }
0x2e: {  	[tilespmem:s16], [sflag:$0x1] =	stream.indirect_vreg.gather [hbm4b:s10+s3], $0x80, v2, vm0, $0xb8;
	[tilespmem:$0x14000] =	vst v63  }
0x2f: {  	s17 =	simm.s32 $0x7800  }
0x30: {  	[tilespmem:s17], [sflag:$0x1] =	stream.indirect_vreg.gather [hbm4b:s11+s3], $0x80, v2, vm0, $0xb8;
	[tilespmem:$0x14000] =	vst v63  }
0x31: {  	v2 =	vld.msk [tilespmem:$0x80], $0x3;
	_ =	sdelay $0x4  }
0x32: {  	v3 =	vshll.u32 v2, $0x6  }
0x33: {  	v2 =	vand.u32 $0x7, v2;
	v3 =	vand.u32 $0xFFFFFE00, v3  }
0x34: {  	v2 =	vor.u32 v2, v3  }
0x35: {  	v2 =	vperm.xlane v2, v0;
	_ =	sdelay $0x1  }
0x36: {  	v2 =	vadd.s32 v1, v2;
	_ =	sdelay $0x4  }
0x37: {  	[tilespmem:s22], [sflag:$0x2] =	stream.indirect_vreg.gather [hbm4b:s2+s3], $0x80, v2, vm0, $0xb8;
	[tilespmem:$0x14000] =	vst v63  }
0x38: {  	s18 =	simm.s32 $0x8800  }
0x39: {  	[tilespmem:s18], [sflag:$0x2] =	stream.indirect_vreg.gather [hbm4b:s5+s3], $0x80, v2, vm0, $0xb8;
	[tilespmem:$0x14000] =	vst v63  }
0x3a: {  	s19 =	simm.s32 $0x9000  }
0x3b: {  	[tilespmem:s19], [sflag:$0x2] =	stream.indirect_vreg.gather [hbm4b:s6+s3], $0x80, v2, vm0, $0xb8;
	[tilespmem:$0x14000] =	vst v63  }
0x3c: {  	s16 =	simm.s32 $0x9800  }
0x3d: {  	[tilespmem:s16], [sflag:$0x2] =	stream.indirect_vreg.gather [hbm4b:s7+s3], $0x80, v2, vm0, $0xb8;
	[tilespmem:$0x14000] =	vst v63  }
0x3e: {  	s17 =	simm.s32 $0xA000  }
0x3f: {  	[tilespmem:s17], [sflag:$0x2] =	stream.indirect_vreg.gather [hbm4b:s8+s3], $0x80, v2, vm0, $0xb8;
	[tilespmem:$0x14000] =	vst v63  }
0x40: {  	s18 =	simm.s32 $0xA800  }
0x41: {  	[tilespmem:s18], [sflag:$0x2] =	stream.indirect_vreg.gather [hbm4b:s9+s3], $0x80, v2, vm0, $0xb8;
	[tilespmem:$0x14000] =	vst v63  }
0x42: {  	s19 =	simm.s32 $0xB000  }
0x43: {  	[tilespmem:s19], [sflag:$0x2] =	stream.indirect_vreg.gather [hbm4b:s10+s3], $0x80, v2, vm0, $0xb8;
	[tilespmem:$0x14000] =	vst v63  }
0x44: {  	s16 =	simm.s32 $0xB800  }
0x45: {  	[tilespmem:s16], [sflag:$0x2] =	stream.indirect_vreg.gather [hbm4b:s11+s3], $0x80, v2, vm0, $0xb8;
	[tilespmem:$0x14000] =	vst v63  }
0x46: {  	v2 =	vld.msk [tilespmem:$0x100], $0x3;
	_ =	sdelay $0x4  }
0x47: {  	v3 =	vshll.u32 v2, $0x6  }
0x48: {  	v2 =	vand.u32 $0x7, v2;
	v3 =	vand.u32 $0xFFFFFE00, v3  }
0x49: {  	v2 =	vor.u32 v2, v3  }
0x4a: {  	v2 =	vperm.xlane v2, v0;
	_ =	sdelay $0x1  }
0x4b: {  	v2 =	vadd.s32 v1, v2;
	_ =	sdelay $0x4  }
0x4c: {  	[tilespmem:s31], [sflag:$0x3] =	stream.indirect_vreg.gather [hbm4b:s2+s3], $0x80, v2, vm0, $0xb8;
	[tilespmem:$0x14000] =	vst v63  }
0x4d: {  	s17 =	simm.s32 $0xC800  }
0x4e: {  	[tilespmem:s17], [sflag:$0x3] =	stream.indirect_vreg.gather [hbm4b:s5+s3], $0x80, v2, vm0, $0xb8;
	[tilespmem:$0x14000] =	vst v63  }
0x4f: {  	s18 =	simm.s32 $0xD000  }
0x50: {  	[tilespmem:s18], [sflag:$0x3] =	stream.indirect_vreg.gather [hbm4b:s6+s3], $0x80, v2, vm0, $0xb8;
	[tilespmem:$0x14000] =	vst v63  }
0x51: {  	s19 =	simm.s32 $0xD800  }
0x52: {  	[tilespmem:s19], [sflag:$0x3] =	stream.indirect_vreg.gather [hbm4b:s7+s3], $0x80, v2, vm0, $0xb8;
	[tilespmem:$0x14000] =	vst v63  }
0x53: {  	s16 =	simm.s32 $0xE000  }
0x54: {  	[tilespmem:s16], [sflag:$0x3] =	stream.indirect_vreg.gather [hbm4b:s8+s3], $0x80, v2, vm0, $0xb8;
	[tilespmem:$0x14000] =	vst v63  }
0x55: {  	s17 =	simm.s32 $0xE800  }
0x56: {  	[tilespmem:s17], [sflag:$0x3] =	stream.indirect_vreg.gather [hbm4b:s9+s3], $0x80, v2, vm0, $0xb8;
	[tilespmem:$0x14000] =	vst v63  }
0x57: {  	s18 =	simm.s32 $0xF000  }
0x58: {  	[tilespmem:s18], [sflag:$0x3] =	stream.indirect_vreg.gather [hbm4b:s10+s3], $0x80, v2, vm0, $0xb8;
	[tilespmem:$0x14000] =	vst v63  }
0x59: {  	s19 =	simm.s32 $0xF800;
	s16 =	simm.s32 $0x300;
	s17 =	simm.s32 $0x0  }
0x5a: {  	[tilespmem:s19], [sflag:$0x3] =	stream.indirect_vreg.gather [hbm4b:s11+s3], $0x80, v2, vm0, $0xb8;
	[tilespmem:$0x14000] =	vst v63  }
.LBB2_2:
0x5b: {  	_ =	swait.ge [sflag:s20], $0x4000  }
0x5c: {  	p0 =	seq.s32 s17, $0x0;
	[sflag:s20] =	ssyncset.done $0x0  }
0x5d: {  	s18 =	simm.s32 @!p0 $0x8;
	[sflag:s20] =	ssyncadd.s32 $0xFFFFC000  }
0x5e: {  	_ =	swait.ge @!p0 [sflag:s18], $0x4000  }
0x5f: {  	[sflag:s18] =	ssyncset.done @!p0 $0x0  }
0x60: {  	[sflag:s18] =	ssyncadd.s32 @!p0 $0xFFFFC000  }
0x61: {  	v2 =	vld.msk [tilespmem:s16+$0xFFFFFE80], $0x3;
	_ =	sdelay $0x4  }
0x62: {  	v3 =	vshll.u32 v2, $0x6  }
0x63: {  	v2 =	vand.u32 $0x7, v2;
	v3 =	vand.u32 $0xFFFFFE00, v3  }
0x64: {  	v2 =	vor.u32 v2, v3  }
0x65: {  	v2 =	vperm.xlane v2, v0;
	_ =	sdelay $0x1  }
0x66: {  	v2 =	vadd.s32 v1, v2;
	_ =	sdelay $0x3  }
0x67: {  	s4 =	rddreg [dreg:$0x5]  }
0x68: {  	[tilespmem:s21], [sflag:$0x4] =	stream.indirect_vreg.gather [hbm4b:s2+s3], $0x80, v2, vm0, $0xb8;
	[tilespmem:$0x14000] =	vst v63  }
0x69: {  	s19 =	rddreg [dreg:$0x6]  }
0x6a: {  	[tilespmem:s4], [sflag:$0x4] =	stream.indirect_vreg.gather [hbm4b:s5+s3], $0x80, v2, vm0, $0xb8;
	[tilespmem:$0x14000] =	vst v63  }
0x6b: {  	s18 =	rddreg [dreg:$0x7]  }
0x6c: {  	[tilespmem:s19], [sflag:$0x4] =	stream.indirect_vreg.gather [hbm4b:s6+s3], $0x80, v2, vm0, $0xb8;
	[tilespmem:$0x14000] =	vst v63  }
0x6d: {  	s4 =	rddreg [dreg:$0x8]  }
0x6e: {  	[tilespmem:s18], [sflag:$0x4] =	stream.indirect_vreg.gather [hbm4b:s7+s3], $0x80, v2, vm0, $0xb8;
	[tilespmem:$0x14000] =	vst v63  }
0x6f: {  	s19 =	rddreg [dreg:$0xb]  }
0x70: {  	[tilespmem:s4], [sflag:$0x4] =	stream.indirect_vreg.gather [hbm4b:s8+s3], $0x80, v2, vm0, $0xb8;
	[tilespmem:$0x14000] =	vst v63  }
0x71: {  	s18 =	rddreg [dreg:$0x9]  }
0x72: {  	[tilespmem:s18], [sflag:$0x4] =	stream.indirect_vreg.gather [hbm4b:s9+s3], $0x80, v2, vm0, $0xb8;
	[tilespmem:$0x14000] =	vst v63  }
0x73: {  	s4 =	rddreg [dreg:$0xa]  }
0x74: {  	[tilespmem:s4], [sflag:$0x4] =	stream.indirect_vreg.gather [hbm4b:s10+s3], $0x80, v2, vm0, $0xb8;
	[tilespmem:$0x14000] =	vst v63  }
0x75: {  	s4 =	rddreg [dreg:$0x4]  }
0x76: {  	[tilespmem:s19], [sflag:$0x4] =	stream.indirect_vreg.gather [hbm4b:s11+s3], $0x80, v2, vm0, $0xb8;
	[tilespmem:$0x14000] =	vst v63  }
0x77: {  	s18 =	sadd.s32 s17, s4  }
0x78: {  	[hbm4b:s18+s23] =	stream.strided.scatter [tilespmem:s14], [sflag:$0x5], $0x4000, s24, s23, $0x38;
	[tilespmem:$0x14000] =	vst v63  }
0x79: {  	_ =	swait.ge [sflag:s25], $0x4000  }
0x7a: {  	[sflag:s25] =	ssyncset.done $0x0  }
0x7b: {  	[sflag:s25] =	ssyncadd.s32 $0xFFFFC000  }
0x7c: {  	_ =	swait.ge [sflag:s26], $0x4000  }
0x7d: {  	[sflag:s26] =	ssyncset.done $0x0  }
0x7e: {  	p0 =	seq.s32 s17, $0x3E000;
	[sflag:s26] =	ssyncadd.s32 $0xFFFFC000  }
0x7f: {  	v2 =	vld.msk @!p0 [tilespmem:s16+$0xFFFFFF00], $0x3;
	_ =	sdelay $0x4  }
0x80: {  	v3 =	vshll.u32 @!p0 v2, $0x6  }
0x81: {  	v4 =	vlaneseq.u32 @!p0;
	v2 =	vand.u32 @!p0 $0x7, v2;
	v3 =	vand.u32 @!p0 $0xFFFFFE00, v3  }
0x82: {  	v2 =	vor.u32 @!p0 v2, v3;
	v3 =	vand.u32 @!p0 $0x1, v4;
	v4 =	vshrl.u32 @!p0 v4, $0x1  }
0x83: {  	v2 =	vperm.xlane @!p0 v2, v3;
	v4 =	vmul.u32 @!p0 $0x8, v4;
	_ =	sdelay $0x1  }
0x84: {  	v2 =	vadd.s32 @!p0 v4, v2;
	_ =	sdelay $0x3  }
0x85: {  	vm1 =	vmmov @!p0 $0xffff;
	s4 =	simm.s32 @!p0 $0x4000;
	s19 =	simm.s32 @!p0 $0x0  }
0x86: {  	[tilespmem:s4], [sflag:$0x1] =	stream.indirect_vreg.gather @!p0 [hbm4b:s2+s19], $0x80, v2, vm1, $0xb8;
	[tilespmem:$0x14000] =	vst v63  }
0x87: {  	s4 =	simm.s32 @!p0 $0x4800  }
0x88: {  	[tilespmem:s4], [sflag:$0x1] =	stream.indirect_vreg.gather @!p0 [hbm4b:s5+s19], $0x80, v2, vm1, $0xb8;
	[tilespmem:$0x14000] =	vst v63  }
0x89: {  	s4 =	simm.s32 @!p0 $0x5000  }
0x8a: {  	[tilespmem:s4], [sflag:$0x1] =	stream.indirect_vreg.gather @!p0 [hbm4b:s6+s19], $0x80, v2, vm1, $0xb8;
	[tilespmem:$0x14000] =	vst v63  }
0x8b: {  	s4 =	simm.s32 @!p0 $0x5800  }
0x8c: {  	[tilespmem:s4], [sflag:$0x1] =	stream.indirect_vreg.gather @!p0 [hbm4b:s7+s19], $0x80, v2, vm1, $0xb8;
	[tilespmem:$0x14000] =	vst v63  }
0x8d: {  	s4 =	simm.s32 @!p0 $0x6000  }
0x8e: {  	[tilespmem:s4], [sflag:$0x1] =	stream.indirect_vreg.gather @!p0 [hbm4b:s8+s19], $0x80, v2, vm1, $0xb8;
	[tilespmem:$0x14000] =	vst v63  }
0x8f: {  	s4 =	simm.s32 @!p0 $0x6800  }
0x90: {  	[tilespmem:s4], [sflag:$0x1] =	stream.indirect_vreg.gather @!p0 [hbm4b:s9+s19], $0x80, v2, vm1, $0xb8;
	[tilespmem:$0x14000] =	vst v63  }
0x91: {  	s4 =	simm.s32 @!p0 $0x7000  }
0x92: {  	[tilespmem:s4], [sflag:$0x1] =	stream.indirect_vreg.gather @!p0 [hbm4b:s10+s19], $0x80, v2, vm1, $0xb8;
	[tilespmem:$0x14000] =	vst v63  }
0x93: {  	s4 =	simm.s32 @!p0 $0x7800  }
0x94: {  	[tilespmem:s4], [sflag:$0x1] =	stream.indirect_vreg.gather @!p0 [hbm4b:s11+s19], $0x80, v2, vm1, $0xb8;
	[tilespmem:$0x14000] =	vst v63  }
0x95: {  	s4 =	sadd.s32 $0x20, s18  }
0x96: {  	[hbm4b:s4+s23] =	stream.strided.scatter [tilespmem:s22], [sflag:$0x6], $0x4000, s24, s23, $0x38;
	[tilespmem:$0x14000] =	vst v63  }
0x97: {  	_ =	swait.ge [sflag:s28], $0x4000  }
0x98: {  	[sflag:s28] =	ssyncset.done $0x0  }
0x99: {  	[sflag:s28] =	ssyncadd.s32 $0xFFFFC000  }
0x9a: {  	_ =	swait.ge [sflag:s29], $0x4000  }
0x9b: {  	[sflag:s29] =	ssyncset.done $0x0  }
0x9c: {  	[sflag:s29] =	ssyncadd.s32 $0xFFFFC000  }
0x9d: {  	v2 =	vld.msk @!p0 [tilespmem:s16+$0xFFFFFF80], $0x3;
	_ =	sdelay $0x4  }
0x9e: {  	v5 =	vshll.u32 @!p0 v2, $0x6  }
0x9f: {  	v2 =	vand.u32 @!p0 $0x7, v2;
	v5 =	vand.u32 @!p0 $0xFFFFFE00, v5  }
0xa0: {  	v2 =	vor.u32 @!p0 v2, v5  }
0xa1: {  	v2 =	vperm.xlane @!p0 v2, v3;
	_ =	sdelay $0x1  }
0xa2: {  	v2 =	vadd.s32 @!p0 v4, v2;
	_ =	sdelay $0x3  }
0xa3: {  	s4 =	simm.s32 @!p0 $0x8000  }
0xa4: {  	[tilespmem:s4], [sflag:$0x2] =	stream.indirect_vreg.gather @!p0 [hbm4b:s2+s19], $0x80, v2, vm1, $0xb8;
	[tilespmem:$0x14000] =	vst v63  }
0xa5: {  	s4 =	simm.s32 @!p0 $0x8800  }
0xa6: {  	[tilespmem:s4], [sflag:$0x2] =	stream.indirect_vreg.gather @!p0 [hbm4b:s5+s19], $0x80, v2, vm1, $0xb8;
	[tilespmem:$0x14000] =	vst v63  }
0xa7: {  	s4 =	simm.s32 @!p0 $0x9000  }
0xa8: {  	[tilespmem:s4], [sflag:$0x2] =	stream.indirect_vreg.gather @!p0 [hbm4b:s6+s19], $0x80, v2, vm1, $0xb8;
	[tilespmem:$0x14000] =	vst v63  }
0xa9: {  	s4 =	simm.s32 @!p0 $0x9800  }
0xaa: {  	[tilespmem:s4], [sflag:$0x2] =	stream.indirect_vreg.gather @!p0 [hbm4b:s7+s19], $0x80, v2, vm1, $0xb8;
	[tilespmem:$0x14000] =	vst v63  }
0xab: {  	s4 =	simm.s32 @!p0 $0xA000  }
0xac: {  	[tilespmem:s4], [sflag:$0x2] =	stream.indirect_vreg.gather @!p0 [hbm4b:s8+s19], $0x80, v2, vm1, $0xb8;
	[tilespmem:$0x14000] =	vst v63  }
0xad: {  	s4 =	simm.s32 @!p0 $0xA800  }
0xae: {  	[tilespmem:s4], [sflag:$0x2] =	stream.indirect_vreg.gather @!p0 [hbm4b:s9+s19], $0x80, v2, vm1, $0xb8;
	[tilespmem:$0x14000] =	vst v63  }
0xaf: {  	s4 =	simm.s32 @!p0 $0xB000  }
0xb0: {  	[tilespmem:s4], [sflag:$0x2] =	stream.indirect_vreg.gather @!p0 [hbm4b:s10+s19], $0x80, v2, vm1, $0xb8;
	[tilespmem:$0x14000] =	vst v63  }
0xb1: {  	s4 =	simm.s32 @!p0 $0xB800  }
0xb2: {  	[tilespmem:s4], [sflag:$0x2] =	stream.indirect_vreg.gather @!p0 [hbm4b:s11+s19], $0x80, v2, vm1, $0xb8;
	[tilespmem:$0x14000] =	vst v63  }
0xb3: {  	s4 =	sadd.s32 $0x40, s18  }
0xb4: {  	[hbm4b:s4+s23] =	stream.strided.scatter [tilespmem:s31], [sflag:$0x7], $0x4000, s24, s23, $0x38;
	[tilespmem:$0x14000] =	vst v63  }
0xb5: {  	_ =	swait.ge [sflag:s30], $0x4000  }
0xb6: {  	[sflag:s30] =	ssyncset.done $0x0  }
0xb7: {  	[sflag:s30] =	ssyncadd.s32 $0xFFFFC000  }
0xb8: {  	_ =	swait.ge [sflag:s0], $0x4000  }
0xb9: {  	[sflag:s0] =	ssyncset.done $0x0  }
0xba: {  	[sflag:s0] =	ssyncadd.s32 $0xFFFFC000  }
0xbb: {  	v2 =	vld.msk @!p0 [tilespmem:s16+$0x0], $0x3;
	_ =	sdelay $0x4  }
0xbc: {  	v5 =	vshll.u32 @!p0 v2, $0x6  }
0xbd: {  	v2 =	vand.u32 @!p0 $0x7, v2;
	v5 =	vand.u32 @!p0 $0xFFFFFE00, v5  }
0xbe: {  	v2 =	vor.u32 @!p0 v2, v5  }
0xbf: {  	v2 =	vperm.xlane @!p0 v2, v3;
	_ =	sdelay $0x1  }
0xc0: {  	v2 =	vadd.s32 @!p0 v4, v2;
	_ =	sdelay $0x3  }
0xc1: {  	s4 =	simm.s32 @!p0 $0xC000  }
0xc2: {  	[tilespmem:s4], [sflag:$0x3] =	stream.indirect_vreg.gather @!p0 [hbm4b:s2+s19], $0x80, v2, vm1, $0xb8;
	[tilespmem:$0x14000] =	vst v63  }
0xc3: {  	s4 =	simm.s32 @!p0 $0xC800  }
0xc4: {  	[tilespmem:s4], [sflag:$0x3] =	stream.indirect_vreg.gather @!p0 [hbm4b:s5+s19], $0x80, v2, vm1, $0xb8;
	[tilespmem:$0x14000] =	vst v63  }
0xc5: {  	s4 =	simm.s32 @!p0 $0xD000  }
0xc6: {  	[tilespmem:s4], [sflag:$0x3] =	stream.indirect_vreg.gather @!p0 [hbm4b:s6+s19], $0x80, v2, vm1, $0xb8;
	[tilespmem:$0x14000] =	vst v63  }
0xc7: {  	s4 =	simm.s32 @!p0 $0xD800  }
0xc8: {  	[tilespmem:s4], [sflag:$0x3] =	stream.indirect_vreg.gather @!p0 [hbm4b:s7+s19], $0x80, v2, vm1, $0xb8;
	[tilespmem:$0x14000] =	vst v63  }
0xc9: {  	s4 =	simm.s32 @!p0 $0xE000  }
0xca: {  	[tilespmem:s4], [sflag:$0x3] =	stream.indirect_vreg.gather @!p0 [hbm4b:s8+s19], $0x80, v2, vm1, $0xb8;
	[tilespmem:$0x14000] =	vst v63  }
0xcb: {  	s4 =	simm.s32 @!p0 $0xE800  }
0xcc: {  	[tilespmem:s4], [sflag:$0x3] =	stream.indirect_vreg.gather @!p0 [hbm4b:s9+s19], $0x80, v2, vm1, $0xb8;
	[tilespmem:$0x14000] =	vst v63  }
0xcd: {  	s4 =	simm.s32 @!p0 $0xF000  }
0xce: {  	[tilespmem:s4], [sflag:$0x3] =	stream.indirect_vreg.gather @!p0 [hbm4b:s10+s19], $0x80, v2, vm1, $0xb8;
	[tilespmem:$0x14000] =	vst v63  }
0xcf: {  	s17 =	sadd.s32 $0x2000, s17;
	s4 =	simm.s32 @!p0 $0xF800  }
0xd0: {  	[tilespmem:s4], [sflag:$0x3] =	stream.indirect_vreg.gather @!p0 [hbm4b:s11+s19], $0x80, v2, vm1, $0xb8;
	[tilespmem:$0x14000] =	vst v63  }
0xd1: {  	p0 =	sne.s32 s17, $0x40000  }
.Ltmp0:
0xd2: {  	_ = 	snop;
	(pc) =	sbr.rel @p0 .LBB2_2-.Ltmp0, $3  }
0xd3: {  	_ =	sdelay $0x1  }
0xd4: {  	s16 =	sadd.s32 $0x200, s16;
	s19 =	sadd.s32 $0x60, s18  }
0xd5: {  	[hbm4b:s19+s23] =	stream.strided.scatter [tilespmem:s21], [sflag:$0x8], $0x4000, s24, s23, $0x38;
	[tilespmem:$0x14000] =	vst v63  }
0xd6: {  	s15 =	sadd.s32 $0x1, s15  }
0xd7: {  	p0 =	sne.s32 s15, s12  }
.Ltmp1:
0xd8: {  	_ = 	snop;
	(pc) =	sbr.rel @p0 .LBB2_1-.Ltmp1, $4  }
0xd9: {  	_ = 	snop  }
0xda: {  	_ =	swait.ge [sflag:s1], $0x4000  }
0xdb: {  	[sflag:s1] =	ssyncset.done $0x0  }
0xdc: {  	[sflag:s1] =	ssyncadd.s32 $0xFFFFC000  }
0xdd: {  	_ =	sfence.sel $0x180000  }
0xde: {  	[bflag:$0x0] =	sbarrier.arrive $0xFFFF  }
0xdf: {  	_ =	strace $0x90000047  }
0xe0: {  	s0 =	stileid.u32;
	[bflag:$0x2] =	sbarrier.arrive $0xFFFF  }
0xe1: {  	p0 =	sne.s32 s0, $0x0;
	s0 =	rddreg [dreg:$0x3]  }
0xe2: {  	s0 =	sadd.s32 @!p0 $0x100000, s0  }
0xe3: {  	[sflag:s0] =	ssyncadd.tile.s32 @!p0 $0x1;
	_ =	shalt  }
.Lfunc_end2:
_tile_overlayer_lowered:
.L_overlay_start_2:
0xe4: {  	(tag) =	ssettag $0x2  }
0xe5: {  	s0 =	rddreg [dreg:$0x0];
	s2 =	stileid.u32  }
0xe6: {  	s1 =	rddreg [dreg:$0x1];
	p0 =	sne.s32 s2, $0x0  }
0xe7: {  	s3 =	rddreg [dreg:$0x2];
	[bflag:$0x3] =	sbarrier.arrive $0xFFFF;
	s2 =	simm.s32 @!p0 $0x1C09  }
0xe8: {  	[timem:s3], [sflag:s2] =	dma.local @!p0 [hbm:s0], s1  }
0xe9: {  	s0 =	simm.s32 @!p0 $0x9  }
0xea: {  	_ =	swait.ge @!p0 [sflag:s0], s1  }
0xeb: {  	s1 =	ssub.s32 @!p0 $0x0, s1;
	[sflag:s0] =	ssyncset.done @!p0 $0x0  }
0xec: {  	[sflag:s0] =	ssyncadd.s32 @!p0 s1  }
0xed: {  	[bflag:$0x3] =	sbarrier.arrive $0xFFFF  }
0xee: {  	_ =	shalt  }

</sc_bundles>
